<compile_context>
chip_gen: v7x
topology: tpu7x:2x2x1
jax: 0.10.2.dev20260603
libtpu: 0.0.44.dev20260713+nightly
codegen_flags: <defaults>
</compile_context>

<pallas_src>
import functools

import jax
import jax.numpy as jnp
from jax import lax
from jax.experimental import pallas as pl
from jax.experimental.pallas import tpu as pltpu
from jax.experimental.pallas import tpu_sc as plsc

V = 1000
BT = 1024 * 50
M_BLK = 2048
SC_ROWS = 2048
NC, NS = 2, 16
NW = NC * NS
B_PER_W = SC_ROWS // NW
CH = 16
SLOTS = 4
LA = 2
N_CHUNKS = B_PER_W // CH
N_ROUNDS = N_CHUNKS // SLOTS
assert CH % 8 == 0 and B_PER_W % CH == 0 and N_CHUNKS % SLOTS == 0
assert LA < SLOTS
assert SC_ROWS == M_BLK and BT % M_BLK == 0
assert 16 * (SLOTS * CH * V + B_PER_W) <= 2097151


def _gather_kernel(idx_hbm, table_hbm, out_hbm, idx_v, rows_v, gsem, ssem):
    wid = lax.axis_index("s") * NC + lax.axis_index("c")
    base = wid * B_PER_W
    pltpu.sync_copy(idx_hbm.at[pl.ds(base, B_PER_W)], idx_v)

    def start_gather(chunk, slot):
        pltpu.async_copy(
            table_hbm.at[idx_v.at[pl.ds(chunk * CH, CH)]],
            rows_v.at[slot],
            gsem.at[slot],
        )

    def wait_gather(chunk, slot):
        pltpu.make_async_copy(
            table_hbm.at[idx_v.at[pl.ds(chunk * CH, CH)]],
            rows_v.at[slot],
            gsem.at[slot],
        ).wait()

    def start_store(chunk, slot):
        pltpu.async_copy(
            rows_v.at[slot],
            out_hbm.at[pl.ds(base + chunk * CH, CH)],
            ssem.at[slot],
        )

    def wait_store(chunk, slot):
        pltpu.make_async_copy(
            rows_v.at[slot],
            out_hbm.at[pl.ds(base + chunk * CH, CH)],
            ssem.at[slot],
        ).wait()

    for c in range(LA):
        start_gather(c, c % SLOTS)

    def round_body(r, carry):
        for j in range(SLOTS):
            c = r * SLOTS + j
            wait_gather(c, j)
            start_store(c, j)
            c2 = c + LA
            slot2 = (j + LA) % SLOTS

            @pl.when(jnp.logical_and(c2 >= SLOTS, c2 < N_CHUNKS))
            def _():
                wait_store(c2 - SLOTS, slot2)
                start_gather(c2, slot2)

            @pl.when(jnp.logical_and(c2 < SLOTS, c2 < N_CHUNKS))
            def _():
                start_gather(c2, slot2)

        return carry

    lax.fori_loop(0, N_ROUNDS, round_body, 0, unroll=False)

    for j in range(SLOTS):
        wait_store(N_CHUNKS - SLOTS + j, j)


def _sc_lookup(idx_sc, table):
    run = functools.partial(
        pl.kernel,
        mesh=plsc.VectorSubcoreMesh(core_axis_name="c", subcore_axis_name="s"),
        out_type=jax.ShapeDtypeStruct((SC_ROWS, V), jnp.float32),
        scratch_types=[
            pltpu.VMEM((B_PER_W,), jnp.int32),
            pltpu.VMEM((SLOTS, CH, V), jnp.float32),
            pltpu.SemaphoreType.DMA((SLOTS,)),
            pltpu.SemaphoreType.DMA((SLOTS,)),
        ],
        compiler_params=pltpu.CompilerParams(use_tc_tiling_on_sc=False),
    )(_gather_kernel)
    return run(idx_sc, table)


def _onehot_matmul_kernel(idx_ref, tab_ref, sc_ref, out_ref):
    i = pl.program_id(0)

    @pl.when(i == 0)
    def _():
        out_ref[...] = sc_ref[...]

    @pl.when(i > 0)
    def _():
        idx = idx_ref[0, 0, :]
        iota = lax.broadcasted_iota(jnp.int32, (M_BLK, V), 1)
        onehot = (idx[:, None] == iota).astype(jnp.bfloat16)
        out_ref[...] = jnp.dot(onehot, tab_ref[...].astype(jnp.bfloat16),
                               preferred_element_type=jnp.float32)


def _tc_lookup_into(idx_flat, table, sc_out):
    n_blk = BT // M_BLK
    idx3 = idx_flat.reshape(n_blk, 1, M_BLK)
    return pl.pallas_call(
        _onehot_matmul_kernel,
        grid=(n_blk,),
        in_specs=[
            pl.BlockSpec((1, 1, M_BLK), lambda i: (i, 0, 0)),
            pl.BlockSpec((V, V), lambda i: (0, 0)),
            pl.BlockSpec((SC_ROWS, V), lambda i: (0, 0)),
        ],
        out_specs=pl.BlockSpec((M_BLK, V), lambda i: (i, 0)),
        out_shape=jax.ShapeDtypeStruct((BT, V), jnp.float32),
        compiler_params=pltpu.CompilerParams(
            dimension_semantics=("arbitrary",)),
    )(idx3, table, sc_out)


def kernel(idx_sequence, token_embedding_table):
    B, T = idx_sequence.shape
    idx_flat = idx_sequence.reshape(BT).astype(jnp.int32)
    sc_out = _sc_lookup(idx_flat[:SC_ROWS], token_embedding_table)
    out = _tc_lookup_into(idx_flat, token_embedding_table, sc_out)
    return out.reshape(B, T, V)

# --- scband reference (transcript-rebuilt; emitter-appended) ---
"""Pipeline reference for scband-bigram-language-model-4063039062261 (READ-ONLY COPY).

The authoritative reference and input builder live on the scoring server;
editing this copy changes nothing except your own understanding.
"""

import jax, jax.numpy as jnp
import numpy as np

VOCAB = 1000
B = 1024
T = 50

def setup_inputs(seed: int = 0) -> dict:
    key = jax.random.key(seed)
    k_idx, k_tab = jax.random.split(key)
    idx_sequence = jax.random.randint(k_idx, (B, T), 0, VOCAB, dtype=jnp.int64 if jax.config.jax_enable_x64 else jnp.int32)
    token_embedding_table = jax.random.normal(k_tab, (VOCAB, VOCAB), dtype=jnp.float32)
    return {"idx_sequence": idx_sequence, "token_embedding_table": token_embedding_table}

def reference(idx_sequence, token_embedding_table):
    # BigramLanguageModel.forward: logits = Embedding(idx_sequence)
    logits = jnp.take(token_embedding_table, idx_sequence, axis=0)
    return logits

if __name__ == "__main__":
    import jax
    _d = setup_inputs()
    print(jax.jit(kernel)(*tuple(_d.values())))

</pallas_src>

<mosaic_0001>
#map = affine_map<(d0, d1) -> (0)>
#map1 = affine_map<(d0, d1) -> (0, 0)>
module attributes {stable_mosaic.version = 14 : i64} {
  func.func @_gather_kernel(%arg0: i32, %arg1: i32, %arg2: memref<2048xi32, #tpu.memory_space<hbm>>, %arg3: memref<1000x1000xf32, #tpu.memory_space<hbm>>, %arg4: memref<2048x1000xf32, #tpu.memory_space<hbm>>, %arg5: memref<64xi32, #tpu.memory_space<vmem>>, %arg6: memref<4x16x1000xf32, #tpu.memory_space<vmem>>, %arg7: memref<4x!tpu.dma_semaphore, #tpu.memory_space<semaphore_mem>>, %arg8: memref<4x!tpu.dma_semaphore, #tpu.memory_space<semaphore_mem>>) attributes {dimension_semantics = [#tpu.dimension_semantics<core_parallel>, #tpu.dimension_semantics<subcore_parallel>], iteration_bounds = array<i64: 2, 16>, scalar_prefetch = 0 : i64, scratch_operands = 4 : i64, tpu.core_type = #tpu.core_type<sc_vector_subcore>, window_params = [{transform_indices = #map}, {transform_indices = #map1}, {transform_indices = #map1}]} {
    %mul3A = arith.constant 2 : i32
    %mul3A_0 = arith.muli %arg1, %mul3A : i32
    %add3A = arith.addi %mul3A_0, %arg0 : i32
    %mul3A_1 = arith.constant 64 : i32
    %mul3A_2 = arith.muli %add3A, %mul3A_1 : i32
    "tpu.region"() ({
      %run_scoped3A = tpu.sem_alloc : memref<!tpu.dma_semaphore, #tpu.memory_space<semaphore_mem>>
      %dma_start3A_316 = tpu.memref_slice %arg2[%mul3A_2] : memref<2048xi32, #tpu.memory_space<hbm>> -> memref<64xi32, #tpu.memory_space<hbm>>
      %dma_start3A_317 = tpu.memref_slice %arg2[%mul3A_2] : memref<2048xi32, #tpu.memory_space<hbm>> -> memref<64xi32, #tpu.memory_space<hbm>>
      tpu.enqueue_dma source(%dma_start3A_317 : memref<64xi32, #tpu.memory_space<hbm>>) target(%arg5 : memref<64xi32, #tpu.memory_space<vmem>>) target_semaphore(%run_scoped3A : memref<!tpu.dma_semaphore, #tpu.memory_space<semaphore_mem>>)
      %dma_wait3A_318 = tpu.memref_slice %arg2[%mul3A_2] : memref<2048xi32, #tpu.memory_space<hbm>> -> memref<64xi32, #tpu.memory_space<hbm>>
      %dma_wait3A_319 = tpu.memref_slice %arg2[%mul3A_2] : memref<2048xi32, #tpu.memory_space<hbm>> -> memref<64xi32, #tpu.memory_space<hbm>>
      tpu.wait_dma2 semaphore(%run_scoped3A : memref<!tpu.dma_semaphore, #tpu.memory_space<semaphore_mem>>) src(%dma_wait3A_319 : memref<64xi32, #tpu.memory_space<hbm>>) dst(%arg5 : memref<64xi32, #tpu.memory_space<vmem>>)
      tpu.yield
    }) : () -> ()
    %dma_start3A = arith.constant 0 : i32
    %dma_start3A_3 = arith.constant 0 : i32
    %dma_start3A_4 = arith.constant 0 : i32
    %dma_start3A_5 = arith.constant 0 : i32
    %dma_start3A_6 = tpu.memref_slice %arg6[%dma_start3A, %dma_start3A_4, %dma_start3A_5] : memref<4x16x1000xf32, #tpu.memory_space<vmem>> -> memref<1x16x1000xf32, #tpu.memory_space<vmem>>
    %dma_start3A_7 = tpu.memref_squeeze %dma_start3A_6 : memref<1x16x1000xf32, #tpu.memory_space<vmem>> -> memref<16x1000xf32, #tpu.memory_space<vmem>>
    %dma_start3A_8 = arith.constant 0 : i32
    %dma_start3A_9 = tpu.memref_slice %arg5[%dma_start3A_8] : memref<64xi32, #tpu.memory_space<vmem>> -> memref<16xi32, #tpu.memory_space<vmem>>
    %dma_start3A_10 = arith.constant 0 : i32
    %dma_start3A_11 = arith.constant 0 : i32
    %dma_start3A_12 = tpu.memref_slice %arg3[%dma_start3A_10, %dma_start3A_11] : memref<1000x1000xf32, #tpu.memory_space<hbm>> -> memref<1000x1000xf32, #tpu.memory_space<hbm>>
    %dma_start3A_13 = tpu.memref_slice %arg7[%dma_start3A_3] : memref<4x!tpu.dma_semaphore, #tpu.memory_space<semaphore_mem>> -> memref<1x!tpu.dma_semaphore, #tpu.memory_space<semaphore_mem>>
    %dma_start3A_14 = tpu.memref_squeeze %dma_start3A_13 : memref<1x!tpu.dma_semaphore, #tpu.memory_space<semaphore_mem>> -> memref<!tpu.dma_semaphore, #tpu.memory_space<semaphore_mem>>
    tpu.enqueue_indirect_dma source(%dma_start3A_12 : memref<1000x1000xf32, #tpu.memory_space<hbm>>) target(%dma_start3A_7 : memref<16x1000xf32, #tpu.memory_space<vmem>>) offsets(%dma_start3A_9 : memref<16xi32, #tpu.memory_space<vmem>>) semaphore(%dma_start3A_14 : memref<!tpu.dma_semaphore, #tpu.memory_space<semaphore_mem>>)
    %dma_start3A_15 = arith.constant 1 : i32
    %dma_start3A_16 = arith.constant 1 : i32
    %dma_start3A_17 = arith.constant 0 : i32
    %dma_start3A_18 = arith.constant 0 : i32
    %dma_start3A_19 = tpu.memref_slice %arg6[%dma_start3A_15, %dma_start3A_17, %dma_start3A_18] : memref<4x16x1000xf32, #tpu.memory_space<vmem>> -> memref<1x16x1000xf32, #tpu.memory_space<vmem>>
    %dma_start3A_20 = tpu.memref_squeeze %dma_start3A_19 : memref<1x16x1000xf32, #tpu.memory_space<vmem>> -> memref<16x1000xf32, #tpu.memory_space<vmem>>
    %dma_start3A_21 = arith.constant 16 : i32
    %dma_start3A_22 = tpu.memref_slice %arg5[%dma_start3A_21] : memref<64xi32, #tpu.memory_space<vmem>> -> memref<16xi32, #tpu.memory_space<vmem>>
    %dma_start3A_23 = arith.constant 0 : i32
    %dma_start3A_24 = arith.constant 0 : i32
    %dma_start3A_25 = tpu.memref_slice %arg3[%dma_start3A_23, %dma_start3A_24] : memref<1000x1000xf32, #tpu.memory_space<hbm>> -> memref<1000x1000xf32, #tpu.memory_space<hbm>>
    %dma_start3A_26 = tpu.memref_slice %arg7[%dma_start3A_16] : memref<4x!tpu.dma_semaphore, #tpu.memory_space<semaphore_mem>> -> memref<1x!tpu.dma_semaphore, #tpu.memory_space<semaphore_mem>>
    %dma_start3A_27 = tpu.memref_squeeze %dma_start3A_26 : memref<1x!tpu.dma_semaphore, #tpu.memory_space<semaphore_mem>> -> memref<!tpu.dma_semaphore, #tpu.memory_space<semaphore_mem>>
    tpu.enqueue_indirect_dma source(%dma_start3A_25 : memref<1000x1000xf32, #tpu.memory_space<hbm>>) target(%dma_start3A_20 : memref<16x1000xf32, #tpu.memory_space<vmem>>) offsets(%dma_start3A_22 : memref<16xi32, #tpu.memory_space<vmem>>) semaphore(%dma_start3A_27 : memref<!tpu.dma_semaphore, #tpu.memory_space<semaphore_mem>>)
    %scan3A = arith.constant 0 : i32
    %scan3A_28 = arith.constant 0 : i32
    %mul3A_29 = arith.constant 4 : i32
    %mul3A_30 = arith.muli %scan3A_28, %mul3A_29 : i32
    %add3A_31 = arith.constant 0 : i32
    %add3A_32 = arith.addi %mul3A_30, %add3A_31 : i32
    %mul3A_33 = arith.constant 16 : i32
    %mul3A_34 = arith.muli %add3A_32, %mul3A_33 : i32
    %dma_wait3A = arith.constant 0 : i32
    %dma_wait3A_35 = arith.constant 0 : i32
    %dma_wait3A_36 = arith.constant 0 : i32
    %dma_wait3A_37 = arith.constant 0 : i32
    %dma_wait3A_38 = tpu.memref_slice %arg6[%dma_wait3A, %dma_wait3A_36, %dma_wait3A_37] : memref<4x16x1000xf32, #tpu.memory_space<vmem>> -> memref<1x16x1000xf32, #tpu.memory_space<vmem>>
    %dma_wait3A_39 = tpu.memref_squeeze %dma_wait3A_38 : memref<1x16x1000xf32, #tpu.memory_space<vmem>> -> memref<16x1000xf32, #tpu.memory_space<vmem>>
    %dma_wait3A_40 = tpu.memref_slice %arg5[%mul3A_34] : memref<64xi32, #tpu.memory_space<vmem>> -> memref<16xi32, #tpu.memory_space<vmem>>
    %dma_wait3A_41 = arith.constant 0 : i32
    %dma_wait3A_42 = arith.constant 0 : i32
    %dma_wait3A_43 = tpu.memref_slice %arg3[%dma_wait3A_41, %dma_wait3A_42] : memref<1000x1000xf32, #tpu.memory_space<hbm>> -> memref<1000x1000xf32, #tpu.memory_space<hbm>>
    %dma_wait3A_44 = tpu.memref_slice %arg7[%dma_wait3A_35] : memref<4x!tpu.dma_semaphore, #tpu.memory_space<semaphore_mem>> -> memref<1x!tpu.dma_semaphore, #tpu.memory_space<semaphore_mem>>
    %dma_wait3A_45 = tpu.memref_squeeze %dma_wait3A_44 : memref<1x!tpu.dma_semaphore, #tpu.memory_space<semaphore_mem>> -> memref<!tpu.dma_semaphore, #tpu.memory_space<semaphore_mem>>
    tpu.wait_indirect_dma semaphore(%dma_wait3A_45 : memref<!tpu.dma_semaphore, #tpu.memory_space<semaphore_mem>>) src(%dma_wait3A_43 : memref<1000x1000xf32, #tpu.memory_space<hbm>>) dst(%dma_wait3A_39 : memref<16x1000xf32, #tpu.memory_space<vmem>>)
    %mul3A_46 = arith.constant 16 : i32
    %mul3A_47 = arith.muli %add3A_32, %mul3A_46 : i32
    %add3A_48 = arith.addi %mul3A_2, %mul3A_47 : i32
    %dma_start3A_49 = arith.constant 0 : i32
    %dma_start3A_50 = arith.constant 0 : i32
    %dma_start3A_51 = arith.constant 0 : i32
    %dma_start3A_52 = arith.constant 0 : i32
    %dma_start3A_53 = tpu.memref_slice %arg6[%dma_start3A_49, %dma_start3A_51, %dma_start3A_52] : memref<4x16x1000xf32, #tpu.memory_space<vmem>> -> memref<1x16x1000xf32, #tpu.memory_space<vmem>>
    %dma_start3A_54 = tpu.memref_squeeze %dma_start3A_53 : memref<1x16x1000xf32, #tpu.memory_space<vmem>> -> memref<16x1000xf32, #tpu.memory_space<vmem>>
    %dma_start3A_55 = arith.constant 0 : i32
    %dma_start3A_56 = tpu.memref_slice %arg4[%add3A_48, %dma_start3A_55] : memref<2048x1000xf32, #tpu.memory_space<hbm>> -> memref<16x1000xf32, #tpu.memory_space<hbm>>
    %dma_start3A_57 = tpu.memref_slice %arg8[%dma_start3A_50] : memref<4x!tpu.dma_semaphore, #tpu.memory_space<semaphore_mem>> -> memref<1x!tpu.dma_semaphore, #tpu.memory_space<semaphore_mem>>
    %dma_start3A_58 = tpu.memref_squeeze %dma_start3A_57 : memref<1x!tpu.dma_semaphore, #tpu.memory_space<semaphore_mem>> -> memref<!tpu.dma_semaphore, #tpu.memory_space<semaphore_mem>>
    %dma_start3A_59 = arith.constant 0 : i32
    %dma_start3A_60 = tpu.memref_slice %arg4[%add3A_48, %dma_start3A_59] : memref<2048x1000xf32, #tpu.memory_space<hbm>> -> memref<16x1000xf32, #tpu.memory_space<hbm>>
    %dma_start3A_61 = arith.constant 0 : i32
    %dma_start3A_62 = arith.constant 0 : i32
    %dma_start3A_63 = tpu.memref_slice %arg6[%dma_start3A_49, %dma_start3A_61, %dma_start3A_62] : memref<4x16x1000xf32, #tpu.memory_space<vmem>> -> memref<1x16x1000xf32, #tpu.memory_space<vmem>>
    %dma_start3A_64 = tpu.memref_squeeze %dma_start3A_63 : memref<1x16x1000xf32, #tpu.memory_space<vmem>> -> memref<16x1000xf32, #tpu.memory_space<vmem>>
    tpu.enqueue_dma source(%dma_start3A_64 : memref<16x1000xf32, #tpu.memory_space<vmem>>) target(%dma_start3A_60 : memref<16x1000xf32, #tpu.memory_space<hbm>>) target_semaphore(%dma_start3A_58 : memref<!tpu.dma_semaphore, #tpu.memory_space<semaphore_mem>>)
    %add3A_65 = arith.constant 2 : i32
    %add3A_66 = arith.addi %add3A_32, %add3A_65 : i32
    %ge3A = arith.constant 4 : i32
    %ge3A_67 = arith.cmpi sge, %add3A_66, %ge3A : i32
    %lt3A = arith.constant 4 : i32
    %lt3A_68 = arith.cmpi slt, %add3A_66, %lt3A : i32
    %and3A = arith.andi %ge3A_67, %lt3A_68 : i1
    %convert_element_type3A = arith.extui %and3A : i1 to i32
    %cond3A = arith.constant 0 : i32
    %cond3A_69 = arith.cmpi ne, %convert_element_type3A, %cond3A : i32
    scf.if %cond3A_69 {
      %sub3A = arith.constant 4 : i32
      %sub3A_316 = arith.subi %add3A_66, %sub3A : i32
      %mul3A_317 = arith.constant 16 : i32
      %mul3A_318 = arith.muli %sub3A_316, %mul3A_317 : i32
      %add3A_319 = arith.addi %mul3A_2, %mul3A_318 : i32
      %dma_wait3A_320 = arith.constant 2 : i32
      %dma_wait3A_321 = arith.constant 2 : i32
      %dma_wait3A_322 = arith.constant 0 : i32
      %dma_wait3A_323 = arith.constant 0 : i32
      %dma_wait3A_324 = tpu.memref_slice %arg6[%dma_wait3A_320, %dma_wait3A_322, %dma_wait3A_323] : memref<4x16x1000xf32, #tpu.memory_space<vmem>> -> memref<1x16x1000xf32, #tpu.memory_space<vmem>>
      %dma_wait3A_325 = tpu.memref_squeeze %dma_wait3A_324 : memref<1x16x1000xf32, #tpu.memory_space<vmem>> -> memref<16x1000xf32, #tpu.memory_space<vmem>>
      %dma_wait3A_326 = arith.constant 0 : i32
      %dma_wait3A_327 = tpu.memref_slice %arg4[%add3A_319, %dma_wait3A_326] : memref<2048x1000xf32, #tpu.memory_space<hbm>> -> memref<16x1000xf32, #tpu.memory_space<hbm>>
      %dma_wait3A_328 = tpu.memref_slice %arg8[%dma_wait3A_321] : memref<4x!tpu.dma_semaphore, #tpu.memory_space<semaphore_mem>> -> memref<1x!tpu.dma_semaphore, #tpu.memory_space<semaphore_mem>>
      %dma_wait3A_329 = tpu.memref_squeeze %dma_wait3A_328 : memref<1x!tpu.dma_semaphore, #tpu.memory_space<semaphore_mem>> -> memref<!tpu.dma_semaphore, #tpu.memory_space<semaphore_mem>>
      %dma_wait3A_330 = arith.constant 0 : i32
      %dma_wait3A_331 = tpu.memref_slice %arg4[%add3A_319, %dma_wait3A_330] : memref<2048x1000xf32, #tpu.memory_space<hbm>> -> memref<16x1000xf32, #tpu.memory_space<hbm>>
      %dma_wait3A_332 = arith.constant 0 : i32
      %dma_wait3A_333 = arith.constant 0 : i32
      %dma_wait3A_334 = tpu.memref_slice %arg6[%dma_wait3A_320, %dma_wait3A_332, %dma_wait3A_333] : memref<4x16x1000xf32, #tpu.memory_space<vmem>> -> memref<1x16x1000xf32, #tpu.memory_space<vmem>>
      %dma_wait3A_335 = tpu.memref_squeeze %dma_wait3A_334 : memref<1x16x1000xf32, #tpu.memory_space<vmem>> -> memref<16x1000xf32, #tpu.memory_space<vmem>>
      tpu.wait_dma2 semaphore(%dma_wait3A_329 : memref<!tpu.dma_semaphore, #tpu.memory_space<semaphore_mem>>) src(%dma_wait3A_335 : memref<16x1000xf32, #tpu.memory_space<vmem>>) dst(%dma_wait3A_331 : memref<16x1000xf32, #tpu.memory_space<hbm>>)
      %mul3A_336 = arith.constant 16 : i32
      %mul3A_337 = arith.muli %add3A_66, %mul3A_336 : i32
      %dma_start3A_338 = arith.constant 2 : i32
      %dma_start3A_339 = arith.constant 2 : i32
      %dma_start3A_340 = arith.constant 0 : i32
      %dma_start3A_341 = arith.constant 0 : i32
      %dma_start3A_342 = tpu.memref_slice %arg6[%dma_start3A_338, %dma_start3A_340, %dma_start3A_341] : memref<4x16x1000xf32, #tpu.memory_space<vmem>> -> memref<1x16x1000xf32, #tpu.memory_space<vmem>>
      %dma_start3A_343 = tpu.memref_squeeze %dma_start3A_342 : memref<1x16x1000xf32, #tpu.memory_space<vmem>> -> memref<16x1000xf32, #tpu.memory_space<vmem>>
      %dma_start3A_344 = tpu.memref_slice %arg5[%mul3A_337] : memref<64xi32, #tpu.memory_space<vmem>> -> memref<16xi32, #tpu.memory_space<vmem>>
      %dma_start3A_345 = arith.constant 0 : i32
      %dma_start3A_346 = arith.constant 0 : i32
      %dma_start3A_347 = tpu.memref_slice %arg3[%dma_start3A_345, %dma_start3A_346] : memref<1000x1000xf32, #tpu.memory_space<hbm>> -> memref<1000x1000xf32, #tpu.memory_space<hbm>>
      %dma_start3A_348 = tpu.memref_slice %arg7[%dma_start3A_339] : memref<4x!tpu.dma_semaphore, #tpu.memory_space<semaphore_mem>> -> memref<1x!tpu.dma_semaphore, #tpu.memory_space<semaphore_mem>>
      %dma_start3A_349 = tpu.memref_squeeze %dma_start3A_348 : memref<1x!tpu.dma_semaphore, #tpu.memory_space<semaphore_mem>> -> memref<!tpu.dma_semaphore, #tpu.memory_space<semaphore_mem>>
      tpu.enqueue_indirect_dma source(%dma_start3A_347 : memref<1000x1000xf32, #tpu.memory_space<hbm>>) target(%dma_start3A_343 : memref<16x1000xf32, #tpu.memory_space<vmem>>) offsets(%dma_start3A_344 : memref<16xi32, #tpu.memory_space<vmem>>) semaphore(%dma_start3A_349 : memref<!tpu.dma_semaphore, #tpu.memory_space<semaphore_mem>>)
    } else {
    }
    %lt3A_70 = arith.constant 4 : i32
    %lt3A_71 = arith.cmpi slt, %add3A_66, %lt3A_70 : i32
    %lt3A_72 = arith.constant 4 : i32
    %lt3A_73 = arith.cmpi slt, %add3A_66, %lt3A_72 : i32
    %and3A_74 = arith.andi %lt3A_71, %lt3A_73 : i1
    %convert_element_type3A_75 = arith.extui %and3A_74 : i1 to i32
    %cond3A_76 = arith.constant 0 : i32
    %cond3A_77 = arith.cmpi ne, %convert_element_type3A_75, %cond3A_76 : i32
    scf.if %cond3A_77 {
      %mul3A_316 = arith.constant 16 : i32
      %mul3A_317 = arith.muli %add3A_66, %mul3A_316 : i32
      %dma_start3A_318 = arith.constant 2 : i32
      %dma_start3A_319 = arith.constant 2 : i32
      %dma_start3A_320 = arith.constant 0 : i32
      %dma_start3A_321 = arith.constant 0 : i32
      %dma_start3A_322 = tpu.memref_slice %arg6[%dma_start3A_318, %dma_start3A_320, %dma_start3A_321] : memref<4x16x1000xf32, #tpu.memory_space<vmem>> -> memref<1x16x1000xf32, #tpu.memory_space<vmem>>
      %dma_start3A_323 = tpu.memref_squeeze %dma_start3A_322 : memref<1x16x1000xf32, #tpu.memory_space<vmem>> -> memref<16x1000xf32, #tpu.memory_space<vmem>>
      %dma_start3A_324 = tpu.memref_slice %arg5[%mul3A_317] : memref<64xi32, #tpu.memory_space<vmem>> -> memref<16xi32, #tpu.memory_space<vmem>>
      %dma_start3A_325 = arith.constant 0 : i32
      %dma_start3A_326 = arith.constant 0 : i32
      %dma_start3A_327 = tpu.memref_slice %arg3[%dma_start3A_325, %dma_start3A_326] : memref<1000x1000xf32, #tpu.memory_space<hbm>> -> memref<1000x1000xf32, #tpu.memory_space<hbm>>
      %dma_start3A_328 = tpu.memref_slice %arg7[%dma_start3A_319] : memref<4x!tpu.dma_semaphore, #tpu.memory_space<semaphore_mem>> -> memref<1x!tpu.dma_semaphore, #tpu.memory_space<semaphore_mem>>
      %dma_start3A_329 = tpu.memref_squeeze %dma_start3A_328 : memref<1x!tpu.dma_semaphore, #tpu.memory_space<semaphore_mem>> -> memref<!tpu.dma_semaphore, #tpu.memory_space<semaphore_mem>>
      tpu.enqueue_indirect_dma source(%dma_start3A_327 : memref<1000x1000xf32, #tpu.memory_space<hbm>>) target(%dma_start3A_323 : memref<16x1000xf32, #tpu.memory_space<vmem>>) offsets(%dma_start3A_324 : memref<16xi32, #tpu.memory_space<vmem>>) semaphore(%dma_start3A_329 : memref<!tpu.dma_semaphore, #tpu.memory_space<semaphore_mem>>)
    } else {
    }
    %mul3A_78 = arith.constant 4 : i32
    %mul3A_79 = arith.muli %scan3A_28, %mul3A_78 : i32
    %add3A_80 = arith.constant 1 : i32
    %add3A_81 = arith.addi %mul3A_79, %add3A_80 : i32
    %mul3A_82 = arith.constant 16 : i32
    %mul3A_83 = arith.muli %add3A_81, %mul3A_82 : i32
    %dma_wait3A_84 = arith.constant 1 : i32
    %dma_wait3A_85 = arith.constant 1 : i32
    %dma_wait3A_86 = arith.constant 0 : i32
    %dma_wait3A_87 = arith.constant 0 : i32
    %dma_wait3A_88 = tpu.memref_slice %arg6[%dma_wait3A_84, %dma_wait3A_86, %dma_wait3A_87] : memref<4x16x1000xf32, #tpu.memory_space<vmem>> -> memref<1x16x1000xf32, #tpu.memory_space<vmem>>
    %dma_wait3A_89 = tpu.memref_squeeze %dma_wait3A_88 : memref<1x16x1000xf32, #tpu.memory_space<vmem>> -> memref<16x1000xf32, #tpu.memory_space<vmem>>
    %dma_wait3A_90 = tpu.memref_slice %arg5[%mul3A_83] : memref<64xi32, #tpu.memory_space<vmem>> -> memref<16xi32, #tpu.memory_space<vmem>>
    %dma_wait3A_91 = arith.constant 0 : i32
    %dma_wait3A_92 = arith.constant 0 : i32
    %dma_wait3A_93 = tpu.memref_slice %arg3[%dma_wait3A_91, %dma_wait3A_92] : memref<1000x1000xf32, #tpu.memory_space<hbm>> -> memref<1000x1000xf32, #tpu.memory_space<hbm>>
    %dma_wait3A_94 = tpu.memref_slice %arg7[%dma_wait3A_85] : memref<4x!tpu.dma_semaphore, #tpu.memory_space<semaphore_mem>> -> memref<1x!tpu.dma_semaphore, #tpu.memory_space<semaphore_mem>>
    %dma_wait3A_95 = tpu.memref_squeeze %dma_wait3A_94 : memref<1x!tpu.dma_semaphore, #tpu.memory_space<semaphore_mem>> -> memref<!tpu.dma_semaphore, #tpu.memory_space<semaphore_mem>>
    tpu.wait_indirect_dma semaphore(%dma_wait3A_95 : memref<!tpu.dma_semaphore, #tpu.memory_space<semaphore_mem>>) src(%dma_wait3A_93 : memref<1000x1000xf32, #tpu.memory_space<hbm>>) dst(%dma_wait3A_89 : memref<16x1000xf32, #tpu.memory_space<vmem>>)
    %mul3A_96 = arith.constant 16 : i32
    %mul3A_97 = arith.muli %add3A_81, %mul3A_96 : i32
    %add3A_98 = arith.addi %mul3A_2, %mul3A_97 : i32
    %dma_start3A_99 = arith.constant 1 : i32
    %dma_start3A_100 = arith.constant 1 : i32
    %dma_start3A_101 = arith.constant 0 : i32
    %dma_start3A_102 = arith.constant 0 : i32
    %dma_start3A_103 = tpu.memref_slice %arg6[%dma_start3A_99, %dma_start3A_101, %dma_start3A_102] : memref<4x16x1000xf32, #tpu.memory_space<vmem>> -> memref<1x16x1000xf32, #tpu.memory_space<vmem>>
    %dma_start3A_104 = tpu.memref_squeeze %dma_start3A_103 : memref<1x16x1000xf32, #tpu.memory_space<vmem>> -> memref<16x1000xf32, #tpu.memory_space<vmem>>
    %dma_start3A_105 = arith.constant 0 : i32
    %dma_start3A_106 = tpu.memref_slice %arg4[%add3A_98, %dma_start3A_105] : memref<2048x1000xf32, #tpu.memory_space<hbm>> -> memref<16x1000xf32, #tpu.memory_space<hbm>>
    %dma_start3A_107 = tpu.memref_slice %arg8[%dma_start3A_100] : memref<4x!tpu.dma_semaphore, #tpu.memory_space<semaphore_mem>> -> memref<1x!tpu.dma_semaphore, #tpu.memory_space<semaphore_mem>>
    %dma_start3A_108 = tpu.memref_squeeze %dma_start3A_107 : memref<1x!tpu.dma_semaphore, #tpu.memory_space<semaphore_mem>> -> memref<!tpu.dma_semaphore, #tpu.memory_space<semaphore_mem>>
    %dma_start3A_109 = arith.constant 0 : i32
    %dma_start3A_110 = tpu.memref_slice %arg4[%add3A_98, %dma_start3A_109] : memref<2048x1000xf32, #tpu.memory_space<hbm>> -> memref<16x1000xf32, #tpu.memory_space<hbm>>
    %dma_start3A_111 = arith.constant 0 : i32
    %dma_start3A_112 = arith.constant 0 : i32
    %dma_start3A_113 = tpu.memref_slice %arg6[%dma_start3A_99, %dma_start3A_111, %dma_start3A_112] : memref<4x16x1000xf32, #tpu.memory_space<vmem>> -> memref<1x16x1000xf32, #tpu.memory_space<vmem>>
    %dma_start3A_114 = tpu.memref_squeeze %dma_start3A_113 : memref<1x16x1000xf32, #tpu.memory_space<vmem>> -> memref<16x1000xf32, #tpu.memory_space<vmem>>
    tpu.enqueue_dma source(%dma_start3A_114 : memref<16x1000xf32, #tpu.memory_space<vmem>>) target(%dma_start3A_110 : memref<16x1000xf32, #tpu.memory_space<hbm>>) target_semaphore(%dma_start3A_108 : memref<!tpu.dma_semaphore, #tpu.memory_space<semaphore_mem>>)
    %add3A_115 = arith.constant 2 : i32
    %add3A_116 = arith.addi %add3A_81, %add3A_115 : i32
    %ge3A_117 = arith.constant 4 : i32
    %ge3A_118 = arith.cmpi sge, %add3A_116, %ge3A_117 : i32
    %lt3A_119 = arith.constant 4 : i32
    %lt3A_120 = arith.cmpi slt, %add3A_116, %lt3A_119 : i32
    %and3A_121 = arith.andi %ge3A_118, %lt3A_120 : i1
    %convert_element_type3A_122 = arith.extui %and3A_121 : i1 to i32
    %cond3A_123 = arith.constant 0 : i32
    %cond3A_124 = arith.cmpi ne, %convert_element_type3A_122, %cond3A_123 : i32
    scf.if %cond3A_124 {
      %sub3A = arith.constant 4 : i32
      %sub3A_316 = arith.subi %add3A_116, %sub3A : i32
      %mul3A_317 = arith.constant 16 : i32
      %mul3A_318 = arith.muli %sub3A_316, %mul3A_317 : i32
      %add3A_319 = arith.addi %mul3A_2, %mul3A_318 : i32
      %dma_wait3A_320 = arith.constant 3 : i32
      %dma_wait3A_321 = arith.constant 3 : i32
      %dma_wait3A_322 = arith.constant 0 : i32
      %dma_wait3A_323 = arith.constant 0 : i32
      %dma_wait3A_324 = tpu.memref_slice %arg6[%dma_wait3A_320, %dma_wait3A_322, %dma_wait3A_323] : memref<4x16x1000xf32, #tpu.memory_space<vmem>> -> memref<1x16x1000xf32, #tpu.memory_space<vmem>>
      %dma_wait3A_325 = tpu.memref_squeeze %dma_wait3A_324 : memref<1x16x1000xf32, #tpu.memory_space<vmem>> -> memref<16x1000xf32, #tpu.memory_space<vmem>>
      %dma_wait3A_326 = arith.constant 0 : i32
      %dma_wait3A_327 = tpu.memref_slice %arg4[%add3A_319, %dma_wait3A_326] : memref<2048x1000xf32, #tpu.memory_space<hbm>> -> memref<16x1000xf32, #tpu.memory_space<hbm>>
      %dma_wait3A_328 = tpu.memref_slice %arg8[%dma_wait3A_321] : memref<4x!tpu.dma_semaphore, #tpu.memory_space<semaphore_mem>> -> memref<1x!tpu.dma_semaphore, #tpu.memory_space<semaphore_mem>>
      %dma_wait3A_329 = tpu.memref_squeeze %dma_wait3A_328 : memref<1x!tpu.dma_semaphore, #tpu.memory_space<semaphore_mem>> -> memref<!tpu.dma_semaphore, #tpu.memory_space<semaphore_mem>>
      %dma_wait3A_330 = arith.constant 0 : i32
      %dma_wait3A_331 = tpu.memref_slice %arg4[%add3A_319, %dma_wait3A_330] : memref<2048x1000xf32, #tpu.memory_space<hbm>> -> memref<16x1000xf32, #tpu.memory_space<hbm>>
      %dma_wait3A_332 = arith.constant 0 : i32
      %dma_wait3A_333 = arith.constant 0 : i32
      %dma_wait3A_334 = tpu.memref_slice %arg6[%dma_wait3A_320, %dma_wait3A_332, %dma_wait3A_333] : memref<4x16x1000xf32, #tpu.memory_space<vmem>> -> memref<1x16x1000xf32, #tpu.memory_space<vmem>>
      %dma_wait3A_335 = tpu.memref_squeeze %dma_wait3A_334 : memref<1x16x1000xf32, #tpu.memory_space<vmem>> -> memref<16x1000xf32, #tpu.memory_space<vmem>>
      tpu.wait_dma2 semaphore(%dma_wait3A_329 : memref<!tpu.dma_semaphore, #tpu.memory_space<semaphore_mem>>) src(%dma_wait3A_335 : memref<16x1000xf32, #tpu.memory_space<vmem>>) dst(%dma_wait3A_331 : memref<16x1000xf32, #tpu.memory_space<hbm>>)
      %mul3A_336 = arith.constant 16 : i32
      %mul3A_337 = arith.muli %add3A_116, %mul3A_336 : i32
      %dma_start3A_338 = arith.constant 3 : i32
      %dma_start3A_339 = arith.constant 3 : i32
      %dma_start3A_340 = arith.constant 0 : i32
      %dma_start3A_341 = arith.constant 0 : i32
      %dma_start3A_342 = tpu.memref_slice %arg6[%dma_start3A_338, %dma_start3A_340, %dma_start3A_341] : memref<4x16x1000xf32, #tpu.memory_space<vmem>> -> memref<1x16x1000xf32, #tpu.memory_space<vmem>>
      %dma_start3A_343 = tpu.memref_squeeze %dma_start3A_342 : memref<1x16x1000xf32, #tpu.memory_space<vmem>> -> memref<16x1000xf32, #tpu.memory_space<vmem>>
      %dma_start3A_344 = tpu.memref_slice %arg5[%mul3A_337] : memref<64xi32, #tpu.memory_space<vmem>> -> memref<16xi32, #tpu.memory_space<vmem>>
      %dma_start3A_345 = arith.constant 0 : i32
      %dma_start3A_346 = arith.constant 0 : i32
      %dma_start3A_347 = tpu.memref_slice %arg3[%dma_start3A_345, %dma_start3A_346] : memref<1000x1000xf32, #tpu.memory_space<hbm>> -> memref<1000x1000xf32, #tpu.memory_space<hbm>>
      %dma_start3A_348 = tpu.memref_slice %arg7[%dma_start3A_339] : memref<4x!tpu.dma_semaphore, #tpu.memory_space<semaphore_mem>> -> memref<1x!tpu.dma_semaphore, #tpu.memory_space<semaphore_mem>>
      %dma_start3A_349 = tpu.memref_squeeze %dma_start3A_348 : memref<1x!tpu.dma_semaphore, #tpu.memory_space<semaphore_mem>> -> memref<!tpu.dma_semaphore, #tpu.memory_space<semaphore_mem>>
      tpu.enqueue_indirect_dma source(%dma_start3A_347 : memref<1000x1000xf32, #tpu.memory_space<hbm>>) target(%dma_start3A_343 : memref<16x1000xf32, #tpu.memory_space<vmem>>) offsets(%dma_start3A_344 : memref<16xi32, #tpu.memory_space<vmem>>) semaphore(%dma_start3A_349 : memref<!tpu.dma_semaphore, #tpu.memory_space<semaphore_mem>>)
    } else {
    }
    %lt3A_125 = arith.constant 4 : i32
    %lt3A_126 = arith.cmpi slt, %add3A_116, %lt3A_125 : i32
    %lt3A_127 = arith.constant 4 : i32
    %lt3A_128 = arith.cmpi slt, %add3A_116, %lt3A_127 : i32
    %and3A_129 = arith.andi %lt3A_126, %lt3A_128 : i1
    %convert_element_type3A_130 = arith.extui %and3A_129 : i1 to i32
    %cond3A_131 = arith.constant 0 : i32
    %cond3A_132 = arith.cmpi ne, %convert_element_type3A_130, %cond3A_131 : i32
    scf.if %cond3A_132 {
      %mul3A_316 = arith.constant 16 : i32
      %mul3A_317 = arith.muli %add3A_116, %mul3A_316 : i32
      %dma_start3A_318 = arith.constant 3 : i32
      %dma_start3A_319 = arith.constant 3 : i32
      %dma_start3A_320 = arith.constant 0 : i32
      %dma_start3A_321 = arith.constant 0 : i32
      %dma_start3A_322 = tpu.memref_slice %arg6[%dma_start3A_318, %dma_start3A_320, %dma_start3A_321] : memref<4x16x1000xf32, #tpu.memory_space<vmem>> -> memref<1x16x1000xf32, #tpu.memory_space<vmem>>
      %dma_start3A_323 = tpu.memref_squeeze %dma_start3A_322 : memref<1x16x1000xf32, #tpu.memory_space<vmem>> -> memref<16x1000xf32, #tpu.memory_space<vmem>>
      %dma_start3A_324 = tpu.memref_slice %arg5[%mul3A_317] : memref<64xi32, #tpu.memory_space<vmem>> -> memref<16xi32, #tpu.memory_space<vmem>>
      %dma_start3A_325 = arith.constant 0 : i32
      %dma_start3A_326 = arith.constant 0 : i32
      %dma_start3A_327 = tpu.memref_slice %arg3[%dma_start3A_325, %dma_start3A_326] : memref<1000x1000xf32, #tpu.memory_space<hbm>> -> memref<1000x1000xf32, #tpu.memory_space<hbm>>
      %dma_start3A_328 = tpu.memref_slice %arg7[%dma_start3A_319] : memref<4x!tpu.dma_semaphore, #tpu.memory_space<semaphore_mem>> -> memref<1x!tpu.dma_semaphore, #tpu.memory_space<semaphore_mem>>
      %dma_start3A_329 = tpu.memref_squeeze %dma_start3A_328 : memref<1x!tpu.dma_semaphore, #tpu.memory_space<semaphore_mem>> -> memref<!tpu.dma_semaphore, #tpu.memory_space<semaphore_mem>>
      tpu.enqueue_indirect_dma source(%dma_start3A_327 : memref<1000x1000xf32, #tpu.memory_space<hbm>>) target(%dma_start3A_323 : memref<16x1000xf32, #tpu.memory_space<vmem>>) offsets(%dma_start3A_324 : memref<16xi32, #tpu.memory_space<vmem>>) semaphore(%dma_start3A_329 : memref<!tpu.dma_semaphore, #tpu.memory_space<semaphore_mem>>)
    } else {
    }
    %mul3A_133 = arith.constant 4 : i32
    %mul3A_134 = arith.muli %scan3A_28, %mul3A_133 : i32
    %add3A_135 = arith.constant 2 : i32
    %add3A_136 = arith.addi %mul3A_134, %add3A_135 : i32
    %mul3A_137 = arith.constant 16 : i32
    %mul3A_138 = arith.muli %add3A_136, %mul3A_137 : i32
    %dma_wait3A_139 = arith.constant 2 : i32
    %dma_wait3A_140 = arith.constant 2 : i32
    %dma_wait3A_141 = arith.constant 0 : i32
    %dma_wait3A_142 = arith.constant 0 : i32
    %dma_wait3A_143 = tpu.memref_slice %arg6[%dma_wait3A_139, %dma_wait3A_141, %dma_wait3A_142] : memref<4x16x1000xf32, #tpu.memory_space<vmem>> -> memref<1x16x1000xf32, #tpu.memory_space<vmem>>
    %dma_wait3A_144 = tpu.memref_squeeze %dma_wait3A_143 : memref<1x16x1000xf32, #tpu.memory_space<vmem>> -> memref<16x1000xf32, #tpu.memory_space<vmem>>
    %dma_wait3A_145 = tpu.memref_slice %arg5[%mul3A_138] : memref<64xi32, #tpu.memory_space<vmem>> -> memref<16xi32, #tpu.memory_space<vmem>>
    %dma_wait3A_146 = arith.constant 0 : i32
    %dma_wait3A_147 = arith.constant 0 : i32
    %dma_wait3A_148 = tpu.memref_slice %arg3[%dma_wait3A_146, %dma_wait3A_147] : memref<1000x1000xf32, #tpu.memory_space<hbm>> -> memref<1000x1000xf32, #tpu.memory_space<hbm>>
    %dma_wait3A_149 = tpu.memref_slice %arg7[%dma_wait3A_140] : memref<4x!tpu.dma_semaphore, #tpu.memory_space<semaphore_mem>> -> memref<1x!tpu.dma_semaphore, #tpu.memory_space<semaphore_mem>>
    %dma_wait3A_150 = tpu.memref_squeeze %dma_wait3A_149 : memref<1x!tpu.dma_semaphore, #tpu.memory_space<semaphore_mem>> -> memref<!tpu.dma_semaphore, #tpu.memory_space<semaphore_mem>>
    tpu.wait_indirect_dma semaphore(%dma_wait3A_150 : memref<!tpu.dma_semaphore, #tpu.memory_space<semaphore_mem>>) src(%dma_wait3A_148 : memref<1000x1000xf32, #tpu.memory_space<hbm>>) dst(%dma_wait3A_144 : memref<16x1000xf32, #tpu.memory_space<vmem>>)
    %mul3A_151 = arith.constant 16 : i32
    %mul3A_152 = arith.muli %add3A_136, %mul3A_151 : i32
    %add3A_153 = arith.addi %mul3A_2, %mul3A_152 : i32
    %dma_start3A_154 = arith.constant 2 : i32
    %dma_start3A_155 = arith.constant 2 : i32
    %dma_start3A_156 = arith.constant 0 : i32
    %dma_start3A_157 = arith.constant 0 : i32
    %dma_start3A_158 = tpu.memref_slice %arg6[%dma_start3A_154, %dma_start3A_156, %dma_start3A_157] : memref<4x16x1000xf32, #tpu.memory_space<vmem>> -> memref<1x16x1000xf32, #tpu.memory_space<vmem>>
    %dma_start3A_159 = tpu.memref_squeeze %dma_start3A_158 : memref<1x16x1000xf32, #tpu.memory_space<vmem>> -> memref<16x1000xf32, #tpu.memory_space<vmem>>
    %dma_start3A_160 = arith.constant 0 : i32
    %dma_start3A_161 = tpu.memref_slice %arg4[%add3A_153, %dma_start3A_160] : memref<2048x1000xf32, #tpu.memory_space<hbm>> -> memref<16x1000xf32, #tpu.memory_space<hbm>>
    %dma_start3A_162 = tpu.memref_slice %arg8[%dma_start3A_155] : memref<4x!tpu.dma_semaphore, #tpu.memory_space<semaphore_mem>> -> memref<1x!tpu.dma_semaphore, #tpu.memory_space<semaphore_mem>>
    %dma_start3A_163 = tpu.memref_squeeze %dma_start3A_162 : memref<1x!tpu.dma_semaphore, #tpu.memory_space<semaphore_mem>> -> memref<!tpu.dma_semaphore, #tpu.memory_space<semaphore_mem>>
    %dma_start3A_164 = arith.constant 0 : i32
    %dma_start3A_165 = tpu.memref_slice %arg4[%add3A_153, %dma_start3A_164] : memref<2048x1000xf32, #tpu.memory_space<hbm>> -> memref<16x1000xf32, #tpu.memory_space<hbm>>
    %dma_start3A_166 = arith.constant 0 : i32
    %dma_start3A_167 = arith.constant 0 : i32
    %dma_start3A_168 = tpu.memref_slice %arg6[%dma_start3A_154, %dma_start3A_166, %dma_start3A_167] : memref<4x16x1000xf32, #tpu.memory_space<vmem>> -> memref<1x16x1000xf32, #tpu.memory_space<vmem>>
    %dma_start3A_169 = tpu.memref_squeeze %dma_start3A_168 : memref<1x16x1000xf32, #tpu.memory_space<vmem>> -> memref<16x1000xf32, #tpu.memory_space<vmem>>
    tpu.enqueue_dma source(%dma_start3A_169 : memref<16x1000xf32, #tpu.memory_space<vmem>>) target(%dma_start3A_165 : memref<16x1000xf32, #tpu.memory_space<hbm>>) target_semaphore(%dma_start3A_163 : memref<!tpu.dma_semaphore, #tpu.memory_space<semaphore_mem>>)
    %add3A_170 = arith.constant 2 : i32
    %add3A_171 = arith.addi %add3A_136, %add3A_170 : i32
    %ge3A_172 = arith.constant 4 : i32
    %ge3A_173 = arith.cmpi sge, %add3A_171, %ge3A_172 : i32
    %lt3A_174 = arith.constant 4 : i32
    %lt3A_175 = arith.cmpi slt, %add3A_171, %lt3A_174 : i32
    %and3A_176 = arith.andi %ge3A_173, %lt3A_175 : i1
    %convert_element_type3A_177 = arith.extui %and3A_176 : i1 to i32
    %cond3A_178 = arith.constant 0 : i32
    %cond3A_179 = arith.cmpi ne, %convert_element_type3A_177, %cond3A_178 : i32
    scf.if %cond3A_179 {
      %sub3A = arith.constant 4 : i32
      %sub3A_316 = arith.subi %add3A_171, %sub3A : i32
      %mul3A_317 = arith.constant 16 : i32
      %mul3A_318 = arith.muli %sub3A_316, %mul3A_317 : i32
      %add3A_319 = arith.addi %mul3A_2, %mul3A_318 : i32
      %dma_wait3A_320 = arith.constant 0 : i32
      %dma_wait3A_321 = arith.constant 0 : i32
      %dma_wait3A_322 = arith.constant 0 : i32
      %dma_wait3A_323 = arith.constant 0 : i32
      %dma_wait3A_324 = tpu.memref_slice %arg6[%dma_wait3A_320, %dma_wait3A_322, %dma_wait3A_323] : memref<4x16x1000xf32, #tpu.memory_space<vmem>> -> memref<1x16x1000xf32, #tpu.memory_space<vmem>>
      %dma_wait3A_325 = tpu.memref_squeeze %dma_wait3A_324 : memref<1x16x1000xf32, #tpu.memory_space<vmem>> -> memref<16x1000xf32, #tpu.memory_space<vmem>>
      %dma_wait3A_326 = arith.constant 0 : i32
      %dma_wait3A_327 = tpu.memref_slice %arg4[%add3A_319, %dma_wait3A_326] : memref<2048x1000xf32, #tpu.memory_space<hbm>> -> memref<16x1000xf32, #tpu.memory_space<hbm>>
      %dma_wait3A_328 = tpu.memref_slice %arg8[%dma_wait3A_321] : memref<4x!tpu.dma_semaphore, #tpu.memory_space<semaphore_mem>> -> memref<1x!tpu.dma_semaphore, #tpu.memory_space<semaphore_mem>>
      %dma_wait3A_329 = tpu.memref_squeeze %dma_wait3A_328 : memref<1x!tpu.dma_semaphore, #tpu.memory_space<semaphore_mem>> -> memref<!tpu.dma_semaphore, #tpu.memory_space<semaphore_mem>>
      %dma_wait3A_330 = arith.constant 0 : i32
      %dma_wait3A_331 = tpu.memref_slice %arg4[%add3A_319, %dma_wait3A_330] : memref<2048x1000xf32, #tpu.memory_space<hbm>> -> memref<16x1000xf32, #tpu.memory_space<hbm>>
      %dma_wait3A_332 = arith.constant 0 : i32
      %dma_wait3A_333 = arith.constant 0 : i32
      %dma_wait3A_334 = tpu.memref_slice %arg6[%dma_wait3A_320, %dma_wait3A_332, %dma_wait3A_333] : memref<4x16x1000xf32, #tpu.memory_space<vmem>> -> memref<1x16x1000xf32, #tpu.memory_space<vmem>>
      %dma_wait3A_335 = tpu.memref_squeeze %dma_wait3A_334 : memref<1x16x1000xf32, #tpu.memory_space<vmem>> -> memref<16x1000xf32, #tpu.memory_space<vmem>>
      tpu.wait_dma2 semaphore(%dma_wait3A_329 : memref<!tpu.dma_semaphore, #tpu.memory_space<semaphore_mem>>) src(%dma_wait3A_335 : memref<16x1000xf32, #tpu.memory_space<vmem>>) dst(%dma_wait3A_331 : memref<16x1000xf32, #tpu.memory_space<hbm>>)
      %mul3A_336 = arith.constant 16 : i32
      %mul3A_337 = arith.muli %add3A_171, %mul3A_336 : i32
      %dma_start3A_338 = arith.constant 0 : i32
      %dma_start3A_339 = arith.constant 0 : i32
      %dma_start3A_340 = arith.constant 0 : i32
      %dma_start3A_341 = arith.constant 0 : i32
      %dma_start3A_342 = tpu.memref_slice %arg6[%dma_start3A_338, %dma_start3A_340, %dma_start3A_341] : memref<4x16x1000xf32, #tpu.memory_space<vmem>> -> memref<1x16x1000xf32, #tpu.memory_space<vmem>>
      %dma_start3A_343 = tpu.memref_squeeze %dma_start3A_342 : memref<1x16x1000xf32, #tpu.memory_space<vmem>> -> memref<16x1000xf32, #tpu.memory_space<vmem>>
      %dma_start3A_344 = tpu.memref_slice %arg5[%mul3A_337] : memref<64xi32, #tpu.memory_space<vmem>> -> memref<16xi32, #tpu.memory_space<vmem>>
      %dma_start3A_345 = arith.constant 0 : i32
      %dma_start3A_346 = arith.constant 0 : i32
      %dma_start3A_347 = tpu.memref_slice %arg3[%dma_start3A_345, %dma_start3A_346] : memref<1000x1000xf32, #tpu.memory_space<hbm>> -> memref<1000x1000xf32, #tpu.memory_space<hbm>>
      %dma_start3A_348 = tpu.memref_slice %arg7[%dma_start3A_339] : memref<4x!tpu.dma_semaphore, #tpu.memory_space<semaphore_mem>> -> memref<1x!tpu.dma_semaphore, #tpu.memory_space<semaphore_mem>>
      %dma_start3A_349 = tpu.memref_squeeze %dma_start3A_348 : memref<1x!tpu.dma_semaphore, #tpu.memory_space<semaphore_mem>> -> memref<!tpu.dma_semaphore, #tpu.memory_space<semaphore_mem>>
      tpu.enqueue_indirect_dma source(%dma_start3A_347 : memref<1000x1000xf32, #tpu.memory_space<hbm>>) target(%dma_start3A_343 : memref<16x1000xf32, #tpu.memory_space<vmem>>) offsets(%dma_start3A_344 : memref<16xi32, #tpu.memory_space<vmem>>) semaphore(%dma_start3A_349 : memref<!tpu.dma_semaphore, #tpu.memory_space<semaphore_mem>>)
    } else {
    }
    %lt3A_180 = arith.constant 4 : i32
    %lt3A_181 = arith.cmpi slt, %add3A_171, %lt3A_180 : i32
    %lt3A_182 = arith.constant 4 : i32
    %lt3A_183 = arith.cmpi slt, %add3A_171, %lt3A_182 : i32
    %and3A_184 = arith.andi %lt3A_181, %lt3A_183 : i1
    %convert_element_type3A_185 = arith.extui %and3A_184 : i1 to i32
    %cond3A_186 = arith.constant 0 : i32
    %cond3A_187 = arith.cmpi ne, %convert_element_type3A_185, %cond3A_186 : i32
    scf.if %cond3A_187 {
      %mul3A_316 = arith.constant 16 : i32
      %mul3A_317 = arith.muli %add3A_171, %mul3A_316 : i32
      %dma_start3A_318 = arith.constant 0 : i32
      %dma_start3A_319 = arith.constant 0 : i32
      %dma_start3A_320 = arith.constant 0 : i32
      %dma_start3A_321 = arith.constant 0 : i32
      %dma_start3A_322 = tpu.memref_slice %arg6[%dma_start3A_318, %dma_start3A_320, %dma_start3A_321] : memref<4x16x1000xf32, #tpu.memory_space<vmem>> -> memref<1x16x1000xf32, #tpu.memory_space<vmem>>
      %dma_start3A_323 = tpu.memref_squeeze %dma_start3A_322 : memref<1x16x1000xf32, #tpu.memory_space<vmem>> -> memref<16x1000xf32, #tpu.memory_space<vmem>>
      %dma_start3A_324 = tpu.memref_slice %arg5[%mul3A_317] : memref<64xi32, #tpu.memory_space<vmem>> -> memref<16xi32, #tpu.memory_space<vmem>>
      %dma_start3A_325 = arith.constant 0 : i32
      %dma_start3A_326 = arith.constant 0 : i32
      %dma_start3A_327 = tpu.memref_slice %arg3[%dma_start3A_325, %dma_start3A_326] : memref<1000x1000xf32, #tpu.memory_space<hbm>> -> memref<1000x1000xf32, #tpu.memory_space<hbm>>
      %dma_start3A_328 = tpu.memref_slice %arg7[%dma_start3A_319] : memref<4x!tpu.dma_semaphore, #tpu.memory_space<semaphore_mem>> -> memref<1x!tpu.dma_semaphore, #tpu.memory_space<semaphore_mem>>
      %dma_start3A_329 = tpu.memref_squeeze %dma_start3A_328 : memref<1x!tpu.dma_semaphore, #tpu.memory_space<semaphore_mem>> -> memref<!tpu.dma_semaphore, #tpu.memory_space<semaphore_mem>>
      tpu.enqueue_indirect_dma source(%dma_start3A_327 : memref<1000x1000xf32, #tpu.memory_space<hbm>>) target(%dma_start3A_323 : memref<16x1000xf32, #tpu.memory_space<vmem>>) offsets(%dma_start3A_324 : memref<16xi32, #tpu.memory_space<vmem>>) semaphore(%dma_start3A_329 : memref<!tpu.dma_semaphore, #tpu.memory_space<semaphore_mem>>)
    } else {
    }
    %mul3A_188 = arith.constant 4 : i32
    %mul3A_189 = arith.muli %scan3A_28, %mul3A_188 : i32
    %add3A_190 = arith.constant 3 : i32
    %add3A_191 = arith.addi %mul3A_189, %add3A_190 : i32
    %mul3A_192 = arith.constant 16 : i32
    %mul3A_193 = arith.muli %add3A_191, %mul3A_192 : i32
    %dma_wait3A_194 = arith.constant 3 : i32
    %dma_wait3A_195 = arith.constant 3 : i32
    %dma_wait3A_196 = arith.constant 0 : i32
    %dma_wait3A_197 = arith.constant 0 : i32
    %dma_wait3A_198 = tpu.memref_slice %arg6[%dma_wait3A_194, %dma_wait3A_196, %dma_wait3A_197] : memref<4x16x1000xf32, #tpu.memory_space<vmem>> -> memref<1x16x1000xf32, #tpu.memory_space<vmem>>
    %dma_wait3A_199 = tpu.memref_squeeze %dma_wait3A_198 : memref<1x16x1000xf32, #tpu.memory_space<vmem>> -> memref<16x1000xf32, #tpu.memory_space<vmem>>
    %dma_wait3A_200 = tpu.memref_slice %arg5[%mul3A_193] : memref<64xi32, #tpu.memory_space<vmem>> -> memref<16xi32, #tpu.memory_space<vmem>>
    %dma_wait3A_201 = arith.constant 0 : i32
    %dma_wait3A_202 = arith.constant 0 : i32
    %dma_wait3A_203 = tpu.memref_slice %arg3[%dma_wait3A_201, %dma_wait3A_202] : memref<1000x1000xf32, #tpu.memory_space<hbm>> -> memref<1000x1000xf32, #tpu.memory_space<hbm>>
    %dma_wait3A_204 = tpu.memref_slice %arg7[%dma_wait3A_195] : memref<4x!tpu.dma_semaphore, #tpu.memory_space<semaphore_mem>> -> memref<1x!tpu.dma_semaphore, #tpu.memory_space<semaphore_mem>>
    %dma_wait3A_205 = tpu.memref_squeeze %dma_wait3A_204 : memref<1x!tpu.dma_semaphore, #tpu.memory_space<semaphore_mem>> -> memref<!tpu.dma_semaphore, #tpu.memory_space<semaphore_mem>>
    tpu.wait_indirect_dma semaphore(%dma_wait3A_205 : memref<!tpu.dma_semaphore, #tpu.memory_space<semaphore_mem>>) src(%dma_wait3A_203 : memref<1000x1000xf32, #tpu.memory_space<hbm>>) dst(%dma_wait3A_199 : memref<16x1000xf32, #tpu.memory_space<vmem>>)
    %mul3A_206 = arith.constant 16 : i32
    %mul3A_207 = arith.muli %add3A_191, %mul3A_206 : i32
    %add3A_208 = arith.addi %mul3A_2, %mul3A_207 : i32
    %dma_start3A_209 = arith.constant 3 : i32
    %dma_start3A_210 = arith.constant 3 : i32
    %dma_start3A_211 = arith.constant 0 : i32
    %dma_start3A_212 = arith.constant 0 : i32
    %dma_start3A_213 = tpu.memref_slice %arg6[%dma_start3A_209, %dma_start3A_211, %dma_start3A_212] : memref<4x16x1000xf32, #tpu.memory_space<vmem>> -> memref<1x16x1000xf32, #tpu.memory_space<vmem>>
    %dma_start3A_214 = tpu.memref_squeeze %dma_start3A_213 : memref<1x16x1000xf32, #tpu.memory_space<vmem>> -> memref<16x1000xf32, #tpu.memory_space<vmem>>
    %dma_start3A_215 = arith.constant 0 : i32
    %dma_start3A_216 = tpu.memref_slice %arg4[%add3A_208, %dma_start3A_215] : memref<2048x1000xf32, #tpu.memory_space<hbm>> -> memref<16x1000xf32, #tpu.memory_space<hbm>>
    %dma_start3A_217 = tpu.memref_slice %arg8[%dma_start3A_210] : memref<4x!tpu.dma_semaphore, #tpu.memory_space<semaphore_mem>> -> memref<1x!tpu.dma_semaphore, #tpu.memory_space<semaphore_mem>>
    %dma_start3A_218 = tpu.memref_squeeze %dma_start3A_217 : memref<1x!tpu.dma_semaphore, #tpu.memory_space<semaphore_mem>> -> memref<!tpu.dma_semaphore, #tpu.memory_space<semaphore_mem>>
    %dma_start3A_219 = arith.constant 0 : i32
    %dma_start3A_220 = tpu.memref_slice %arg4[%add3A_208, %dma_start3A_219] : memref<2048x1000xf32, #tpu.memory_space<hbm>> -> memref<16x1000xf32, #tpu.memory_space<hbm>>
    %dma_start3A_221 = arith.constant 0 : i32
    %dma_start3A_222 = arith.constant 0 : i32
    %dma_start3A_223 = tpu.memref_slice %arg6[%dma_start3A_209, %dma_start3A_221, %dma_start3A_222] : memref<4x16x1000xf32, #tpu.memory_space<vmem>> -> memref<1x16x1000xf32, #tpu.memory_space<vmem>>
    %dma_start3A_224 = tpu.memref_squeeze %dma_start3A_223 : memref<1x16x1000xf32, #tpu.memory_space<vmem>> -> memref<16x1000xf32, #tpu.memory_space<vmem>>
    tpu.enqueue_dma source(%dma_start3A_224 : memref<16x1000xf32, #tpu.memory_space<vmem>>) target(%dma_start3A_220 : memref<16x1000xf32, #tpu.memory_space<hbm>>) target_semaphore(%dma_start3A_218 : memref<!tpu.dma_semaphore, #tpu.memory_space<semaphore_mem>>)
    %add3A_225 = arith.constant 2 : i32
    %add3A_226 = arith.addi %add3A_191, %add3A_225 : i32
    %ge3A_227 = arith.constant 4 : i32
    %ge3A_228 = arith.cmpi sge, %add3A_226, %ge3A_227 : i32
    %lt3A_229 = arith.constant 4 : i32
    %lt3A_230 = arith.cmpi slt, %add3A_226, %lt3A_229 : i32
    %and3A_231 = arith.andi %ge3A_228, %lt3A_230 : i1
    %convert_element_type3A_232 = arith.extui %and3A_231 : i1 to i32
    %cond3A_233 = arith.constant 0 : i32
    %cond3A_234 = arith.cmpi ne, %convert_element_type3A_232, %cond3A_233 : i32
    scf.if %cond3A_234 {
      %sub3A = arith.constant 4 : i32
      %sub3A_316 = arith.subi %add3A_226, %sub3A : i32
      %mul3A_317 = arith.constant 16 : i32
      %mul3A_318 = arith.muli %sub3A_316, %mul3A_317 : i32
      %add3A_319 = arith.addi %mul3A_2, %mul3A_318 : i32
      %dma_wait3A_320 = arith.constant 1 : i32
      %dma_wait3A_321 = arith.constant 1 : i32
      %dma_wait3A_322 = arith.constant 0 : i32
      %dma_wait3A_323 = arith.constant 0 : i32
      %dma_wait3A_324 = tpu.memref_slice %arg6[%dma_wait3A_320, %dma_wait3A_322, %dma_wait3A_323] : memref<4x16x1000xf32, #tpu.memory_space<vmem>> -> memref<1x16x1000xf32, #tpu.memory_space<vmem>>
      %dma_wait3A_325 = tpu.memref_squeeze %dma_wait3A_324 : memref<1x16x1000xf32, #tpu.memory_space<vmem>> -> memref<16x1000xf32, #tpu.memory_space<vmem>>
      %dma_wait3A_326 = arith.constant 0 : i32
      %dma_wait3A_327 = tpu.memref_slice %arg4[%add3A_319, %dma_wait3A_326] : memref<2048x1000xf32, #tpu.memory_space<hbm>> -> memref<16x1000xf32, #tpu.memory_space<hbm>>
      %dma_wait3A_328 = tpu.memref_slice %arg8[%dma_wait3A_321] : memref<4x!tpu.dma_semaphore, #tpu.memory_space<semaphore_mem>> -> memref<1x!tpu.dma_semaphore, #tpu.memory_space<semaphore_mem>>
      %dma_wait3A_329 = tpu.memref_squeeze %dma_wait3A_328 : memref<1x!tpu.dma_semaphore, #tpu.memory_space<semaphore_mem>> -> memref<!tpu.dma_semaphore, #tpu.memory_space<semaphore_mem>>
      %dma_wait3A_330 = arith.constant 0 : i32
      %dma_wait3A_331 = tpu.memref_slice %arg4[%add3A_319, %dma_wait3A_330] : memref<2048x1000xf32, #tpu.memory_space<hbm>> -> memref<16x1000xf32, #tpu.memory_space<hbm>>
      %dma_wait3A_332 = arith.constant 0 : i32
      %dma_wait3A_333 = arith.constant 0 : i32
      %dma_wait3A_334 = tpu.memref_slice %arg6[%dma_wait3A_320, %dma_wait3A_332, %dma_wait3A_333] : memref<4x16x1000xf32, #tpu.memory_space<vmem>> -> memref<1x16x1000xf32, #tpu.memory_space<vmem>>
      %dma_wait3A_335 = tpu.memref_squeeze %dma_wait3A_334 : memref<1x16x1000xf32, #tpu.memory_space<vmem>> -> memref<16x1000xf32, #tpu.memory_space<vmem>>
      tpu.wait_dma2 semaphore(%dma_wait3A_329 : memref<!tpu.dma_semaphore, #tpu.memory_space<semaphore_mem>>) src(%dma_wait3A_335 : memref<16x1000xf32, #tpu.memory_space<vmem>>) dst(%dma_wait3A_331 : memref<16x1000xf32, #tpu.memory_space<hbm>>)
      %mul3A_336 = arith.constant 16 : i32
      %mul3A_337 = arith.muli %add3A_226, %mul3A_336 : i32
      %dma_start3A_338 = arith.constant 1 : i32
      %dma_start3A_339 = arith.constant 1 : i32
      %dma_start3A_340 = arith.constant 0 : i32
      %dma_start3A_341 = arith.constant 0 : i32
      %dma_start3A_342 = tpu.memref_slice %arg6[%dma_start3A_338, %dma_start3A_340, %dma_start3A_341] : memref<4x16x1000xf32, #tpu.memory_space<vmem>> -> memref<1x16x1000xf32, #tpu.memory_space<vmem>>
      %dma_start3A_343 = tpu.memref_squeeze %dma_start3A_342 : memref<1x16x1000xf32, #tpu.memory_space<vmem>> -> memref<16x1000xf32, #tpu.memory_space<vmem>>
      %dma_start3A_344 = tpu.memref_slice %arg5[%mul3A_337] : memref<64xi32, #tpu.memory_space<vmem>> -> memref<16xi32, #tpu.memory_space<vmem>>
      %dma_start3A_345 = arith.constant 0 : i32
      %dma_start3A_346 = arith.constant 0 : i32
      %dma_start3A_347 = tpu.memref_slice %arg3[%dma_start3A_345, %dma_start3A_346] : memref<1000x1000xf32, #tpu.memory_space<hbm>> -> memref<1000x1000xf32, #tpu.memory_space<hbm>>
      %dma_start3A_348 = tpu.memref_slice %arg7[%dma_start3A_339] : memref<4x!tpu.dma_semaphore, #tpu.memory_space<semaphore_mem>> -> memref<1x!tpu.dma_semaphore, #tpu.memory_space<semaphore_mem>>
      %dma_start3A_349 = tpu.memref_squeeze %dma_start3A_348 : memref<1x!tpu.dma_semaphore, #tpu.memory_space<semaphore_mem>> -> memref<!tpu.dma_semaphore, #tpu.memory_space<semaphore_mem>>
      tpu.enqueue_indirect_dma source(%dma_start3A_347 : memref<1000x1000xf32, #tpu.memory_space<hbm>>) target(%dma_start3A_343 : memref<16x1000xf32, #tpu.memory_space<vmem>>) offsets(%dma_start3A_344 : memref<16xi32, #tpu.memory_space<vmem>>) semaphore(%dma_start3A_349 : memref<!tpu.dma_semaphore, #tpu.memory_space<semaphore_mem>>)
    } else {
    }
    %lt3A_235 = arith.constant 4 : i32
    %lt3A_236 = arith.cmpi slt, %add3A_226, %lt3A_235 : i32
    %lt3A_237 = arith.constant 4 : i32
    %lt3A_238 = arith.cmpi slt, %add3A_226, %lt3A_237 : i32
    %and3A_239 = arith.andi %lt3A_236, %lt3A_238 : i1
    %convert_element_type3A_240 = arith.extui %and3A_239 : i1 to i32
    %cond3A_241 = arith.constant 0 : i32
    %cond3A_242 = arith.cmpi ne, %convert_element_type3A_240, %cond3A_241 : i32
    scf.if %cond3A_242 {
      %mul3A_316 = arith.constant 16 : i32
      %mul3A_317 = arith.muli %add3A_226, %mul3A_316 : i32
      %dma_start3A_318 = arith.constant 1 : i32
      %dma_start3A_319 = arith.constant 1 : i32
      %dma_start3A_320 = arith.constant 0 : i32
      %dma_start3A_321 = arith.constant 0 : i32
      %dma_start3A_322 = tpu.memref_slice %arg6[%dma_start3A_318, %dma_start3A_320, %dma_start3A_321] : memref<4x16x1000xf32, #tpu.memory_space<vmem>> -> memref<1x16x1000xf32, #tpu.memory_space<vmem>>
      %dma_start3A_323 = tpu.memref_squeeze %dma_start3A_322 : memref<1x16x1000xf32, #tpu.memory_space<vmem>> -> memref<16x1000xf32, #tpu.memory_space<vmem>>
      %dma_start3A_324 = tpu.memref_slice %arg5[%mul3A_317] : memref<64xi32, #tpu.memory_space<vmem>> -> memref<16xi32, #tpu.memory_space<vmem>>
      %dma_start3A_325 = arith.constant 0 : i32
      %dma_start3A_326 = arith.constant 0 : i32
      %dma_start3A_327 = tpu.memref_slice %arg3[%dma_start3A_325, %dma_start3A_326] : memref<1000x1000xf32, #tpu.memory_space<hbm>> -> memref<1000x1000xf32, #tpu.memory_space<hbm>>
      %dma_start3A_328 = tpu.memref_slice %arg7[%dma_start3A_319] : memref<4x!tpu.dma_semaphore, #tpu.memory_space<semaphore_mem>> -> memref<1x!tpu.dma_semaphore, #tpu.memory_space<semaphore_mem>>
      %dma_start3A_329 = tpu.memref_squeeze %dma_start3A_328 : memref<1x!tpu.dma_semaphore, #tpu.memory_space<semaphore_mem>> -> memref<!tpu.dma_semaphore, #tpu.memory_space<semaphore_mem>>
      tpu.enqueue_indirect_dma source(%dma_start3A_327 : memref<1000x1000xf32, #tpu.memory_space<hbm>>) target(%dma_start3A_323 : memref<16x1000xf32, #tpu.memory_space<vmem>>) offsets(%dma_start3A_324 : memref<16xi32, #tpu.memory_space<vmem>>) semaphore(%dma_start3A_329 : memref<!tpu.dma_semaphore, #tpu.memory_space<semaphore_mem>>)
    } else {
    }
    %scan3A_243 = arith.constant 1 : i32
    %add3A_244 = arith.constant 0 : i32
    %add3A_245 = arith.addi %mul3A_2, %add3A_244 : i32
    %dma_wait3A_246 = arith.constant 0 : i32
    %dma_wait3A_247 = arith.constant 0 : i32
    %dma_wait3A_248 = arith.constant 0 : i32
    %dma_wait3A_249 = arith.constant 0 : i32
    %dma_wait3A_250 = tpu.memref_slice %arg6[%dma_wait3A_246, %dma_wait3A_248, %dma_wait3A_249] : memref<4x16x1000xf32, #tpu.memory_space<vmem>> -> memref<1x16x1000xf32, #tpu.memory_space<vmem>>
    %dma_wait3A_251 = tpu.memref_squeeze %dma_wait3A_250 : memref<1x16x1000xf32, #tpu.memory_space<vmem>> -> memref<16x1000xf32, #tpu.memory_space<vmem>>
    %dma_wait3A_252 = arith.constant 0 : i32
    %dma_wait3A_253 = tpu.memref_slice %arg4[%add3A_245, %dma_wait3A_252] : memref<2048x1000xf32, #tpu.memory_space<hbm>> -> memref<16x1000xf32, #tpu.memory_space<hbm>>
    %dma_wait3A_254 = tpu.memref_slice %arg8[%dma_wait3A_247] : memref<4x!tpu.dma_semaphore, #tpu.memory_space<semaphore_mem>> -> memref<1x!tpu.dma_semaphore, #tpu.memory_space<semaphore_mem>>
    %dma_wait3A_255 = tpu.memref_squeeze %dma_wait3A_254 : memref<1x!tpu.dma_semaphore, #tpu.memory_space<semaphore_mem>> -> memref<!tpu.dma_semaphore, #tpu.memory_space<semaphore_mem>>
    %dma_wait3A_256 = arith.constant 0 : i32
    %dma_wait3A_257 = tpu.memref_slice %arg4[%add3A_245, %dma_wait3A_256] : memref<2048x1000xf32, #tpu.memory_space<hbm>> -> memref<16x1000xf32, #tpu.memory_space<hbm>>
    %dma_wait3A_258 = arith.constant 0 : i32
    %dma_wait3A_259 = arith.constant 0 : i32
    %dma_wait3A_260 = tpu.memref_slice %arg6[%dma_wait3A_246, %dma_wait3A_258, %dma_wait3A_259] : memref<4x16x1000xf32, #tpu.memory_space<vmem>> -> memref<1x16x1000xf32, #tpu.memory_space<vmem>>
    %dma_wait3A_261 = tpu.memref_squeeze %dma_wait3A_260 : memref<1x16x1000xf32, #tpu.memory_space<vmem>> -> memref<16x1000xf32, #tpu.memory_space<vmem>>
    tpu.wait_dma2 semaphore(%dma_wait3A_255 : memref<!tpu.dma_semaphore, #tpu.memory_space<semaphore_mem>>) src(%dma_wait3A_261 : memref<16x1000xf32, #tpu.memory_space<vmem>>) dst(%dma_wait3A_257 : memref<16x1000xf32, #tpu.memory_space<hbm>>)
    %add3A_262 = arith.constant 16 : i32
    %add3A_263 = arith.addi %mul3A_2, %add3A_262 : i32
    %dma_wait3A_264 = arith.constant 1 : i32
    %dma_wait3A_265 = arith.constant 1 : i32
    %dma_wait3A_266 = arith.constant 0 : i32
    %dma_wait3A_267 = arith.constant 0 : i32
    %dma_wait3A_268 = tpu.memref_slice %arg6[%dma_wait3A_264, %dma_wait3A_266, %dma_wait3A_267] : memref<4x16x1000xf32, #tpu.memory_space<vmem>> -> memref<1x16x1000xf32, #tpu.memory_space<vmem>>
    %dma_wait3A_269 = tpu.memref_squeeze %dma_wait3A_268 : memref<1x16x1000xf32, #tpu.memory_space<vmem>> -> memref<16x1000xf32, #tpu.memory_space<vmem>>
    %dma_wait3A_270 = arith.constant 0 : i32
    %dma_wait3A_271 = tpu.memref_slice %arg4[%add3A_263, %dma_wait3A_270] : memref<2048x1000xf32, #tpu.memory_space<hbm>> -> memref<16x1000xf32, #tpu.memory_space<hbm>>
    %dma_wait3A_272 = tpu.memref_slice %arg8[%dma_wait3A_265] : memref<4x!tpu.dma_semaphore, #tpu.memory_space<semaphore_mem>> -> memref<1x!tpu.dma_semaphore, #tpu.memory_space<semaphore_mem>>
    %dma_wait3A_273 = tpu.memref_squeeze %dma_wait3A_272 : memref<1x!tpu.dma_semaphore, #tpu.memory_space<semaphore_mem>> -> memref<!tpu.dma_semaphore, #tpu.memory_space<semaphore_mem>>
    %dma_wait3A_274 = arith.constant 0 : i32
    %dma_wait3A_275 = tpu.memref_slice %arg4[%add3A_263, %dma_wait3A_274] : memref<2048x1000xf32, #tpu.memory_space<hbm>> -> memref<16x1000xf32, #tpu.memory_space<hbm>>
    %dma_wait3A_276 = arith.constant 0 : i32
    %dma_wait3A_277 = arith.constant 0 : i32
    %dma_wait3A_278 = tpu.memref_slice %arg6[%dma_wait3A_264, %dma_wait3A_276, %dma_wait3A_277] : memref<4x16x1000xf32, #tpu.memory_space<vmem>> -> memref<1x16x1000xf32, #tpu.memory_space<vmem>>
    %dma_wait3A_279 = tpu.memref_squeeze %dma_wait3A_278 : memref<1x16x1000xf32, #tpu.memory_space<vmem>> -> memref<16x1000xf32, #tpu.memory_space<vmem>>
    tpu.wait_dma2 semaphore(%dma_wait3A_273 : memref<!tpu.dma_semaphore, #tpu.memory_space<semaphore_mem>>) src(%dma_wait3A_279 : memref<16x1000xf32, #tpu.memory_space<vmem>>) dst(%dma_wait3A_275 : memref<16x1000xf32, #tpu.memory_space<hbm>>)
    %add3A_280 = arith.constant 32 : i32
    %add3A_281 = arith.addi %mul3A_2, %add3A_280 : i32
    %dma_wait3A_282 = arith.constant 2 : i32
    %dma_wait3A_283 = arith.constant 2 : i32
    %dma_wait3A_284 = arith.constant 0 : i32
    %dma_wait3A_285 = arith.constant 0 : i32
    %dma_wait3A_286 = tpu.memref_slice %arg6[%dma_wait3A_282, %dma_wait3A_284, %dma_wait3A_285] : memref<4x16x1000xf32, #tpu.memory_space<vmem>> -> memref<1x16x1000xf32, #tpu.memory_space<vmem>>
    %dma_wait3A_287 = tpu.memref_squeeze %dma_wait3A_286 : memref<1x16x1000xf32, #tpu.memory_space<vmem>> -> memref<16x1000xf32, #tpu.memory_space<vmem>>
    %dma_wait3A_288 = arith.constant 0 : i32
    %dma_wait3A_289 = tpu.memref_slice %arg4[%add3A_281, %dma_wait3A_288] : memref<2048x1000xf32, #tpu.memory_space<hbm>> -> memref<16x1000xf32, #tpu.memory_space<hbm>>
    %dma_wait3A_290 = tpu.memref_slice %arg8[%dma_wait3A_283] : memref<4x!tpu.dma_semaphore, #tpu.memory_space<semaphore_mem>> -> memref<1x!tpu.dma_semaphore, #tpu.memory_space<semaphore_mem>>
    %dma_wait3A_291 = tpu.memref_squeeze %dma_wait3A_290 : memref<1x!tpu.dma_semaphore, #tpu.memory_space<semaphore_mem>> -> memref<!tpu.dma_semaphore, #tpu.memory_space<semaphore_mem>>
    %dma_wait3A_292 = arith.constant 0 : i32
    %dma_wait3A_293 = tpu.memref_slice %arg4[%add3A_281, %dma_wait3A_292] : memref<2048x1000xf32, #tpu.memory_space<hbm>> -> memref<16x1000xf32, #tpu.memory_space<hbm>>
    %dma_wait3A_294 = arith.constant 0 : i32
    %dma_wait3A_295 = arith.constant 0 : i32
    %dma_wait3A_296 = tpu.memref_slice %arg6[%dma_wait3A_282, %dma_wait3A_294, %dma_wait3A_295] : memref<4x16x1000xf32, #tpu.memory_space<vmem>> -> memref<1x16x1000xf32, #tpu.memory_space<vmem>>
    %dma_wait3A_297 = tpu.memref_squeeze %dma_wait3A_296 : memref<1x16x1000xf32, #tpu.memory_space<vmem>> -> memref<16x1000xf32, #tpu.memory_space<vmem>>
    tpu.wait_dma2 semaphore(%dma_wait3A_291 : memref<!tpu.dma_semaphore, #tpu.memory_space<semaphore_mem>>) src(%dma_wait3A_297 : memref<16x1000xf32, #tpu.memory_space<vmem>>) dst(%dma_wait3A_293 : memref<16x1000xf32, #tpu.memory_space<hbm>>)
    %add3A_298 = arith.constant 48 : i32
    %add3A_299 = arith.addi %mul3A_2, %add3A_298 : i32
    %dma_wait3A_300 = arith.constant 3 : i32
    %dma_wait3A_301 = arith.constant 3 : i32
    %dma_wait3A_302 = arith.constant 0 : i32
    %dma_wait3A_303 = arith.constant 0 : i32
    %dma_wait3A_304 = tpu.memref_slice %arg6[%dma_wait3A_300, %dma_wait3A_302, %dma_wait3A_303] : memref<4x16x1000xf32, #tpu.memory_space<vmem>> -> memref<1x16x1000xf32, #tpu.memory_space<vmem>>
    %dma_wait3A_305 = tpu.memref_squeeze %dma_wait3A_304 : memref<1x16x1000xf32, #tpu.memory_space<vmem>> -> memref<16x1000xf32, #tpu.memory_space<vmem>>
    %dma_wait3A_306 = arith.constant 0 : i32
    %dma_wait3A_307 = tpu.memref_slice %arg4[%add3A_299, %dma_wait3A_306] : memref<2048x1000xf32, #tpu.memory_space<hbm>> -> memref<16x1000xf32, #tpu.memory_space<hbm>>
    %dma_wait3A_308 = tpu.memref_slice %arg8[%dma_wait3A_301] : memref<4x!tpu.dma_semaphore, #tpu.memory_space<semaphore_mem>> -> memref<1x!tpu.dma_semaphore, #tpu.memory_space<semaphore_mem>>
    %dma_wait3A_309 = tpu.memref_squeeze %dma_wait3A_308 : memref<1x!tpu.dma_semaphore, #tpu.memory_space<semaphore_mem>> -> memref<!tpu.dma_semaphore, #tpu.memory_space<semaphore_mem>>
    %dma_wait3A_310 = arith.constant 0 : i32
    %dma_wait3A_311 = tpu.memref_slice %arg4[%add3A_299, %dma_wait3A_310] : memref<2048x1000xf32, #tpu.memory_space<hbm>> -> memref<16x1000xf32, #tpu.memory_space<hbm>>
    %dma_wait3A_312 = arith.constant 0 : i32
    %dma_wait3A_313 = arith.constant 0 : i32
    %dma_wait3A_314 = tpu.memref_slice %arg6[%dma_wait3A_300, %dma_wait3A_312, %dma_wait3A_313] : memref<4x16x1000xf32, #tpu.memory_space<vmem>> -> memref<1x16x1000xf32, #tpu.memory_space<vmem>>
    %dma_wait3A_315 = tpu.memref_squeeze %dma_wait3A_314 : memref<1x16x1000xf32, #tpu.memory_space<vmem>> -> memref<16x1000xf32, #tpu.memory_space<vmem>>
    tpu.wait_dma2 semaphore(%dma_wait3A_309 : memref<!tpu.dma_semaphore, #tpu.memory_space<semaphore_mem>>) src(%dma_wait3A_315 : memref<16x1000xf32, #tpu.memory_space<vmem>>) dst(%dma_wait3A_311 : memref<16x1000xf32, #tpu.memory_space<hbm>>)
    return
  }
}

module attributes {stable_mosaic.version = 14 : i64} {
  func.func @_onehot_matmul_kernel(%arg0: i32, %arg1: memref<1x1x2048xi32, #tpu.memory_space<vmem>>, %arg2: memref<1000x1000xf32, #tpu.memory_space<vmem>>, %arg3: memref<2048x1000xf32, #tpu.memory_space<vmem>>, %arg4: memref<2048x1000xf32, #tpu.memory_space<vmem>>) attributes {dimension_semantics = [#tpu.dimension_semantics<arbitrary>], iteration_bounds = array<i64: 25>, scalar_prefetch = 0 : i64, scratch_operands = 0 : i64, tpu.core_type = #tpu.core_type<tc>, window_params = [{transform_indices = @transform_0, window_bounds = array<i64: 1, 1, 2048>}, {pipeline_mode = #tpu.pipeline_mode<synchronous>, transform_indices = @transform_1, window_bounds = array<i64: 1000, 1000>}, {pipeline_mode = #tpu.pipeline_mode<synchronous>, transform_indices = @transform_2, window_bounds = array<i64: 2048, 1000>}, {transform_indices = @transform_3, window_bounds = array<i64: 2048, 1000>}]} {
    %eq3A = arith.constant 0 : i32
    %eq3A_0 = arith.cmpi eq, %arg0, %eq3A : i32
    %convert_element_type3A = arith.extui %eq3A_0 : i1 to i32
    %cond3A = arith.constant 0 : i32
    %cond3A_1 = arith.cmpi ne, %convert_element_type3A, %cond3A : i32
    scf.if %cond3A_1 {
      %get3A = arith.constant 0 : index
      %get3A_6 = arith.constant 0 : index
      %get3A_7 = vector.load %arg3[%get3A, %get3A_6] : memref<2048x1000xf32, #tpu.memory_space<vmem>>, vector<2048x1000xf32>
      %swap3A = arith.constant 0 : index
      %swap3A_8 = arith.constant 0 : index
      %swap3A_9 = vector.load %arg4[%swap3A, %swap3A_8] : memref<2048x1000xf32, #tpu.memory_space<vmem>>, vector<2048x1000xf32>
      tpu.vector_store %arg4[%swap3A, %swap3A_8], %get3A_7 {strides = array<i32>} : memref<2048x1000xf32, #tpu.memory_space<vmem>>, vector<2048x1000xf32>,
    } else {
    }
    %gt3A = arith.constant 0 : i32
    %gt3A_2 = arith.cmpi sgt, %arg0, %gt3A : i32
    %convert_element_type3A_3 = arith.extui %gt3A_2 : i1 to i32
    %cond3A_4 = arith.constant 0 : i32
    %cond3A_5 = arith.cmpi ne, %convert_element_type3A_3, %cond3A_4 : i32
    scf.if %cond3A_5 {
      %get3A = arith.constant 0 : index
      %get3A_6 = arith.constant 0 : index
      %get3A_7 = arith.constant 0 : index
      %get3A_8 = vector.load %arg1[%get3A, %get3A_6, %get3A_7] : memref<1x1x2048xi32, #tpu.memory_space<vmem>>, vector<1x1x2048xi32>
      %get3A_9 = vector.shape_cast %get3A_8 : vector<1x1x2048xi32> to vector<2048xi32>
      %iota3A = tpu.iota {dimensions = array<i32: 1>} : vector<2048x1000xi32>
      %broadcast_in_dim3A = vector.shape_cast %get3A_9 : vector<2048xi32> to vector<2048x1xi32>
      %eq3A_10 = vector.broadcast %broadcast_in_dim3A : vector<2048x1xi32> to vector<2048x1000xi32>
      %eq3A_11 = arith.cmpi eq, %eq3A_10, %iota3A : vector<2048x1000xi32>
      %convert_element_type3A_12 = arith.extui %eq3A_11 : vector<2048x1000xi1> to vector<2048x1000xi32>
      %convert_element_type3A_13 = arith.sitofp %convert_element_type3A_12 : vector<2048x1000xi32> to vector<2048x1000xf32>
      %convert_element_type3A_14 = arith.truncf %convert_element_type3A_13 : vector<2048x1000xf32> to vector<2048x1000xbf16>
      %get3A_15 = arith.constant 0 : index
      %get3A_16 = arith.constant 0 : index
      %get3A_17 = vector.load %arg2[%get3A_15, %get3A_16] : memref<1000x1000xf32, #tpu.memory_space<vmem>>, vector<1000x1000xf32>
      %convert_element_type3A_18 = arith.truncf %get3A_17 : vector<1000x1000xf32> to vector<1000x1000xbf16>
      %dot_general3A = arith.constant dense<0.000000e+00> : vector<2048x1000xf32>
      %dot_general3A_19 = tpu.matmul %convert_element_type3A_14, %convert_element_type3A_18, %dot_general3A {dimension_numbers = #tpu.dot_dimension_numbers<[1], [0], [0], [1], [0, 0, 1, 1], [], []>, transpose_lhs_hint = false} : vector<2048x1000xbf16>, vector<1000x1000xbf16>, vector<2048x1000xf32> -> vector<2048x1000xf32>
      %swap3A = arith.constant 0 : index
      %swap3A_20 = arith.constant 0 : index
      %swap3A_21 = vector.load %arg4[%swap3A, %swap3A_20] : memref<2048x1000xf32, #tpu.memory_space<vmem>>, vector<2048x1000xf32>
      tpu.vector_store %arg4[%swap3A, %swap3A_20], %dot_general3A_19 {strides = array<i32>} : memref<2048x1000xf32, #tpu.memory_space<vmem>>, vector<2048x1000xf32>,
    } else {
    }
    return
  }
  func.func @transform_0(%arg0: i32) -> (i32, i32, i32) {
    %c0_i32 = arith.constant 0 : i32
    %c0_i32_0 = arith.constant 0 : i32
    %c0_i32_1 = arith.constant 0 : i32
    return %arg0, %c0_i32, %c0_i32_0 : i32, i32, i32
  }
  func.func @transform_1(%arg0: i32) -> (i32, i32) {
    %c0_i32 = arith.constant 0 : i32
    %c0_i32_0 = arith.constant 0 : i32
    %c0_i32_1 = arith.constant 0 : i32
    return %c0_i32, %c0_i32_0 : i32, i32
  }
  func.func @transform_2(%arg0: i32) -> (i32, i32) {
    %c0_i32 = arith.constant 0 : i32
    %c0_i32_0 = arith.constant 0 : i32
    %c0_i32_1 = arith.constant 0 : i32
    return %c0_i32, %c0_i32_0 : i32, i32
  }
  func.func @transform_3(%arg0: i32) -> (i32, i32) {
    %c0_i32 = arith.constant 0 : i32
    %c0_i32_0 = arith.constant 0 : i32
    return %arg0, %c0_i32 : i32, i32
  }
}

</mosaic_0001>

<sc_bundles>
// kernel: kernel.4.cloned.1.call-start
scs
__scs_entry_jumppad:
0x0: {  	(pc) =	sbr.rel $0x88, $3  }
0x1: {  	(tag) =	ssettag $0x0;
	lr =	simm.s32 $0x1  }
0x2: {  	[smem:$0x3F9F] =	sst lr;
	_ =	strace $0xD0000000  }
0x3: {  	_ = 	snop  }
0x4: {  	_ = 	snop  }
0x5: {  	_ = 	snop  }
0x6: {  	_ = 	snop  }
0x7: {  	_ = 	snop  }
__scs_overlays_trampoline_lowered:
0x8: {  	[smem:$0x3FAE] =	sst s0  }
0x9: {  	[smem:$0x3FAF] =	sst s1  }
0xa: {  	[smem:$0x3FB0] =	sst s2  }
0xb: {  	[smem:$0x3FB1] =	sst s3  }
0xc: {  	[smem:$0x3FB2] =	sst s4  }
0xd: {  	[smem:$0x3FB3] =	sst s5  }
0xe: {  	[smem:$0x3FB4] =	sst s6  }
0xf: {  	[smem:$0x3FB5] =	sst s7  }
0x10: {  	[smem:$0x3FB6] =	sst s8  }
0x11: {  	[smem:$0x3FB7] =	sst s9;
	s0 =	simm.s32 @!p0 $0x0  }
0x12: {  	s1 =	sld [smem:$0x3F9D];
	s0 =	simm.s32 @p0 $0x1  }
0x13: {  	[smem:$0x3FB8] =	sst s0;
	s0 =	simm.s32 @!p1 $0x0  }
0x14: {  	s2 =	sld [smem:$0x3F9C];
	s0 =	simm.s32 @p1 $0x1  }
0x15: {  	[smem:$0x3FB9] =	sst s0;
	s0 =	simm.s32 @!p2 $0x0  }
0x16: {  	s3 =	sld [smem:$0x3FDB];
	s0 =	simm.s32 @p2 $0x1  }
0x17: {  	s4 =	simm.s32 $0x1BF5;
	[smem:$0x3FBB] =	sst s0  }
0x18: {  	s0 =	sld [smem:$0x3F9E];
	_ =	swait.ge [sflag:s4], $0x0  }
0x19: {  	s7 =	sld [smem:$0x3F9F]  }
0x1a: {  	s8 =	sadd.s32 $0xFFFFE003, lr  }
0x1b: {  	s9 =	sadd.s32 $0xFFFFFEF7, lr;
	s5 =	simm.s32 $0xFFFFFFFF;
	p2 =	slt.u32 s8, $0xFFFFF086  }
0x1c: {  	p1 =	slt.u32 s9, $0xF7A;
	s5 =	simm.s32 @!p2 $0x0  }
0x1d: {  	s5 =	simm.s32 @p1 $0x1;
	p0 =	seq.s32 s7, s2  }
0x1e: {  	s7 =	smul.u32 @!p0 $0xF7A, s2;
	p2 =	seq.s32 @!p0 s5, $0x0  }
0x1f: {  	s9 =	smul.u32 $0xF7A, s1;
	s8 =	simm.s32 @!p0 $0x1BF5;
	p2 =	por !p2, p0  }
0x20: {  	[sflag:s8] =	ssyncset.s32 @!p0 $0xFFFFF086;
	s6 =	sadd.s32 @!p0 s3, s7;
	s7 =	simm.s32 @!p0 $0x108  }
0x21: {  	s3 =	sadd.s32 s3, s9;
	s6 =	sadd.s32 @!p0 $0x88, s6;
	s7 =	simm.s32 @p2 $0x1082  }
0x22: {  	[simem:s7], [sflag:s8] =	dma.local @!p0 [hbm:s6], $0xF7A  }
0x23: {  	s9 =	sor.u32 $0xD0000000, s2;
	s6 =	simm.s32 $0x108;
	_ =	swait.ge @!p0 [sflag:s8], $0x0  }
0x24: {  	s3 =	sadd.s32 $0x88, s3;
	s6 =	simm.s32 @!p1 $0x1082;
	[sflag:s4] =	ssyncset.s32 $0xFFFFF086  }
0x25: {  	[simem:s6], [sflag:s4] =	dma.local [hbm:s3], $0xF7A  }
0x26: {  	[smem:$0x3F9F] =	sst s1;
	(tag) =	ssettag s2;
	_ =	strace s9  }
0x27: {  	s1 =	sld [smem:$0x3FAF]  }
0x28: {  	s2 =	sld [smem:$0x3FB0]  }
0x29: {  	s4 =	sld [smem:$0x3FB2]  }
0x2a: {  	p0 =	seq.s32 s5, $0x0;
	s5 =	sld [smem:$0x3FB3]  }
0x2b: {  	s6 =	sld [smem:$0x3FB4]  }
0x2c: {  	s7 =	sld [smem:$0x3FB5]  }
0x2d: {  	s3 =	simm.s32 $0x108;
	s8 =	sld [smem:$0x3FB6]  }
0x2e: {  	s3 =	simm.s32 @!p0 $0x1082;
	s9 =	sld [smem:$0x3FB7]  }
0x2f: {  	lr =	sadd.s32 s0, s3;
	s0 =	sld [smem:$0x3FAE]  }
0x30: {  	s3 =	sld [smem:$0x3FB1]  }
0x31: {  	[smem:$0x3FBA] =	sst s10  }
0x32: {  	s10 =	sld [smem:$0x3FB8];
	_ =	sdelay $0x3  }
0x33: {  	p0 =	seq.s32 s10, $0x1;
	s10 =	sld [smem:$0x3FBA];
	_ =	sdelay $0x3  }
0x34: {  	[smem:$0x3FBA] =	sst s10  }
0x35: {  	s10 =	sld [smem:$0x3FB9];
	_ =	sdelay $0x3  }
0x36: {  	p1 =	seq.s32 s10, $0x1;
	s10 =	sld [smem:$0x3FBA];
	_ =	sdelay $0x3  }
0x37: {  	[smem:$0x3FBA] =	sst s10  }
0x38: {  	s10 =	sld [smem:$0x3FBB]  }
0x39: {  	_ = 	snop;
	(pc) =	sbr.ind lr, $3  }
0x3a: {  	_ = 	snop  }
0x3b: {  	_ = 	snop  }
0x3c: {  	p2 =	seq.s32 s10, $0x1;
	s10 =	sld [smem:$0x3FBA]  }
0x3d: {  	_ =	shalt  }
0x3e: {  	_ =	shalt  }
0x3f: {  	_ =	shalt  }
0x40: {  	_ =	shalt  }
0x41: {  	_ =	shalt  }
0x42: {  	_ =	shalt  }
0x43: {  	_ =	shalt  }
0x44: {  	_ =	shalt  }
0x45: {  	_ =	shalt  }
0x46: {  	_ =	shalt  }
0x47: {  	_ =	shalt  }
0x48: {  	_ =	shalt  }
0x49: {  	_ =	shalt  }
0x4a: {  	_ =	shalt  }
0x4b: {  	_ =	shalt  }
0x4c: {  	_ =	shalt  }
0x4d: {  	_ =	shalt  }
0x4e: {  	_ =	shalt  }
0x4f: {  	_ =	shalt  }
0x50: {  	_ =	shalt  }
0x51: {  	_ =	shalt  }
0x52: {  	_ =	shalt  }
0x53: {  	_ =	shalt  }
0x54: {  	_ =	shalt  }
0x55: {  	_ =	shalt  }
0x56: {  	_ =	shalt  }
0x57: {  	_ =	shalt  }
0x58: {  	_ =	shalt  }
0x59: {  	_ =	shalt  }
0x5a: {  	_ =	shalt  }
0x5b: {  	_ =	shalt  }
0x5c: {  	_ =	shalt  }
0x5d: {  	_ =	shalt  }
0x5e: {  	_ =	shalt  }
0x5f: {  	_ =	shalt  }
0x60: {  	_ =	shalt  }
0x61: {  	_ =	shalt  }
0x62: {  	_ =	shalt  }
0x63: {  	_ =	shalt  }
0x64: {  	_ =	shalt  }
0x65: {  	_ =	shalt  }
0x66: {  	_ =	shalt  }
0x67: {  	_ =	shalt  }
0x68: {  	_ =	shalt  }
0x69: {  	_ =	shalt  }
0x6a: {  	_ =	shalt  }
0x6b: {  	_ =	shalt  }
0x6c: {  	_ =	shalt  }
0x6d: {  	_ =	shalt  }
0x6e: {  	_ =	shalt  }
0x6f: {  	_ =	shalt  }
0x70: {  	_ =	shalt  }
0x71: {  	_ =	shalt  }
0x72: {  	_ =	shalt  }
0x73: {  	_ =	shalt  }
0x74: {  	_ =	shalt  }
0x75: {  	_ =	shalt  }
0x76: {  	_ =	shalt  }
0x77: {  	_ =	shalt  }
0x78: {  	_ =	shalt  }
0x79: {  	_ =	shalt  }
0x7a: {  	_ =	shalt  }
0x7b: {  	_ =	shalt  }
0x7c: {  	_ =	shalt  }
0x7d: {  	_ =	shalt  }
0x7e: {  	_ =	shalt  }
0x7f: {  	_ =	shalt  }
0x80: {  	_ =	shalt  }
0x81: {  	_ =	shalt  }
0x82: {  	_ =	shalt  }
0x83: {  	_ =	shalt  }
0x84: {  	_ =	shalt  }
0x85: {  	_ =	shalt  }
0x86: {  	_ =	shalt  }
0x87: {  	_ =	shalt  }
.Lfunc_end0:
.L_simem_size_0:
called_computation.1_lowered:
.L_overlay_start_0:
0x88: {  	s2 =	sld [smem:$0x3FD9]  }
0x89: {  	s3 =	sld [smem:$0x3FFE];
	_ =	sdelay $0x1  }
0x8a: {  	s1 =	srdreg.scid  }
0x8b: {  	s0 =	sand.u32 $0x1, s1  }
0x8c: {  	s17 =	sshll.u32 s0, $0xA;
	s2 =	sadd.s32 s3, s2  }
0x8d: {  	s2 =	sadd.s32 s2, s17  }
0x8e: {  	[smem:$0x3FC6] =	sst s2  }
0x8f: {  	_ = 	snop  }
0x90: {  	s2 =	sld [smem:$0x3FD0];
	(tm) =	ssettm $0x1  }
0x91: {  	s18 =	sld [smem:$0x3FFB];
	_ =	sdelay $0x3  }
0x92: {  	_ =	strace s18  }
0x93: {  	s3 =	sld [smem:$0x3FFC];
	_ =	sdelay $0x3  }
0x94: {  	_ =	strace s3  }
0x95: {  	s3 =	sld [smem:$0x3FFD];
	_ =	sdelay $0x3  }
0x96: {  	_ =	strace s3  }
0x97: {  	_ =	strace $0x8FFFFFFF  }
0x98: {  	s19 =	sld [smem:$0x3FDB];
	_ =	sdelay $0x1  }
0x99: {  	s4 =	simm.s32 $_scs_section_size  }
0x9a: {  	s5 =	simm.s32 $_size__tile_overlayer_lowered;
	s6 =	simm.s32 $_tile_overlayer_lowered  }
0x9b: {  	s22 =	simm.s32 $0x1BFF;
	s21 =	sshll.u32 s6, $0x1;
	s3 =	sadd.s32 s4, s19  }
0x9c: {  	s7 =	simm.s32 $0x0;
	s20 =	sshll.u32 s5, $0x1;
	s5 =	sadd.s32 s21, s3  }
0x9d: {  	[timem:s7], [sflag:s22] =	dma.local [hbm:s5], s20  }
0x9e: {  	_ =	swait.ge [sflag:s22], s20  }
0x9f: {  	s4 =	ssub.s32 $0x0, s20;
	[sflag:s22] =	ssyncset.done $0x0  }
0xa0: {  	[sflag:s22] =	ssyncadd.s32 s4;
	_ =	sdelay $0x1  }
0xa1: {  	s23 =	simm.s32 $0x1B8B  }
0xa2: {  	_ =	swait.ge [sflag:s23], $0x1  }
0xa3: {  	[sflag:s23] =	ssyncset.done $0x0  }
0xa4: {  	s25 =	simm.s32 $0x1B8E;
	s24 =	sld [smem:$0x3FFE];
	[sflag:s23] =	ssyncadd.s32 $0xFFFFFFFF  }
0xa5: {  	s26 =	simm.s32 $execute0_lowered;
	[smem:$0x3FD2] =	sst s25  }
0xa6: {  	s5 =	sshll.u32 s26, $0x1;
	_ =	strace $0x80000046;
	[dreg:$0x1] =	wrdreg $0xFFFFFFFF  }
0xa7: {  	s28 =	simm.s32 $_size_execute0_lowered;
	s3 =	sadd.s32 s3, s5;
	[dreg:$0x0] =	wrdreg $0x0  }
0xa8: {  	s5 =	sshll.u32 s28, $0x1;
	[dreg:$0x2] =	wrdreg s3  }
0xa9: {  	[dreg:$0x3] =	wrdreg s5  }
0xaa: {  	[dreg:$0x4] =	wrdreg $0xC0  }
0xab: {  	_ =	task [dreg:s7], $0x5FFFF  }
0xac: {  	[dreg:$0x1] =	wrdreg $0xFFFFFFFF  }
0xad: {  	[dreg:$0x0] =	wrdreg $0x60  }
0xae: {  	[dreg:$0x2] =	wrdreg s24  }
0xaf: {  	[dreg:$0x3] =	wrdreg s2  }
0xb0: {  	[dreg:$0x4] =	wrdreg $0x9  }
0xb1: {  	_ =	task.clear_ibuf [dreg:s7], $0x5FFFF;
	_ =	strace $0x90000046  }
0xb2: {  	s29 =	simm.s32 $0x9;
	_ =	strace $0x80000048  }
0xb3: {  	_ =	swait.ge [sflag:s29], $0x1  }
0xb4: {  	[sflag:s29] =	ssyncadd.s32 $0xFFFFFFFF  }
0xb5: {  	_ =	strace $0x90000048  }
0xb6: {  	_ =	sfence  }
0xb7: {  	s30 =	sld [smem:$0x0];
	_ =	sdelay $0x2  }
0xb8: {  	s31 =	sshll.u32 s1, $0xD;
	s1 =	sshrl.u32 s1, $0x2  }
0xb9: {  	s3 =	sand.u32 $0x4000, s31;
	s1 =	sadd.s32 s1, s30  }
0xba: {  	s0 =	sor.u32 s3, s0;
	s1 =	sshll.u32 s1, $0x11  }
0xbb: {  	s0 =	sor.u32 s1, s0  }
0xbc: {  	s0 =	sadd.s32 $0x8F2B, s0  }
0xbd: {  	[sflag:s0] =	ssyncadd.remote.s32 $0x1  }
0xbe: {  	_ =	sfence.sel $0xFFFF  }
0xbf: {  	[dreg:$0x0] =	wrdreg $0xFFFFFFFF;
	(pc) =	sbr.abs _section_cstart, $3  }
0xc0: {  	[dreg:$0x1] =	wrdreg $0xFFFFFFFF  }
0xc1: {  	_ =	task.clear_ibuf [dreg:s7], $0x2FFFF;
	_ =	strace $0x9FFFFFFF  }
0xc2: {  	(tm) =	ssettm $0x7FFFFFFF  }
0xc3: {  	_ =	shalt  }
tec
execute0_lowered:
.L_overlay_start_1:
0x0: {  	(tag) =	ssettag $0x1  }
0x1: {  	s1 =	srdreg.scid  }
0x2: {  	s0 =	stileid.u32;
	s23 =	sand.u32 $0x1, s1  }
0x3: {  	s31 =	sshll.u32 s0, $0x7;
	s2 =	sshll.u32 s23, $0x6  }
0x4: {  	s5 =	rddreg [dreg:$0x0];
	s11 =	sor.u32 s2, s31  }
0x5: {  	s14 =	rddreg [dreg:$0x1];
	s2 =	simm.s32 $0x0;
	s3 =	sshrl.u32 s11, $0x3  }
0x6: {  	s4 =	simm.s32 $0x9;
	[smem:$0x7FF] =	sst s2;
	s3 =	sadd.s32 s3, s5  }
0x7: {  	s1 =	rddreg [dreg:$0x2];
	_ =	strace $0x80000047;
	s3 =	sadd.s32 $0xA00, s3  }
0x8: {  	[tilespmem:s2], [sflag:$0x9] =	stream.linear.gather [hbm4b:s3+s2], $0x40, $0x38;
	[tilespmem:$0xFA40] =	vst v63  }
0x9: {  	_ =	swait.ge [sflag:s4], $0x40  }
0xa: {  	s6 =	simm.s32 $0x10;
	[sflag:s4] =	ssyncset.done $0x0  }
0xb: {  	s7 =	simm.s32 $0x40;
	s5 =	sadd.s32 $0xC00, s5;
	[sflag:s4] =	ssyncadd.s32 $0xFFFFFFC0  }
0xc: {  	[tilespmem:s7], [sflag:$0x1] =	stream.indirect.gather [hbm4b:s5+s6], $0x3E8, s2, s6, $0xb8;
	[tilespmem:$0xFA40] =	vst v63  }
0xd: {  	s8 =	simm.s32 $0x3EC0;
	s9 =	simm.s32 $0x1  }
0xe: {  	[tilespmem:s8], [sflag:$0x2] =	stream.indirect.gather [hbm4b:s5+s6], $0x3E8, s6, s6, $0xb8;
	[tilespmem:$0xFA40] =	vst v63  }
0xf: {  	s10 =	smul.u32 $0x7D, s11;
	_ =	swait.ge [sflag:s9], $0x3E80  }
0x10: {  	[sflag:s9] =	ssyncset.done $0x0  }
0x11: {  	s12 =	simm.s32 $0x7D40;
	s10 =	sadd.s32 s14, s10;
	[sflag:s9] =	ssyncadd.s32 $0xFFFFC180  }
0x12: {  	[hbm4b:s10+s2] =	stream.linear.scatter [tilespmem:s7], [sflag:$0x5], $0x3E80, $0x38;
	[tilespmem:$0xFA40] =	vst v63  }
0x13: {  	s13 =	simm.s32 $0x2;
	s15 =	smul.u32 $0x3E8, s11;
	s11 =	simm.s32 $0x20  }
0x14: {  	[tilespmem:s12], [sflag:$0x3] =	stream.indirect.gather [hbm4b:s5+s6], $0x3E8, s11, s6, $0xb8;
	[tilespmem:$0xFA40] =	vst v63  }
0x15: {  	s15 =	sshrl.u32 s15, $0x3;
	_ =	swait.ge [sflag:s13], $0x3E80  }
0x16: {  	s20 =	sadd.s32 s14, s15;
	[sflag:s13] =	ssyncset.done $0x0  }
0x17: {  	s14 =	sadd.s32 $0x7D0, s20;
	[sflag:s13] =	ssyncadd.s32 $0xFFFFC180  }
0x18: {  	[hbm4b:s14+s2] =	stream.linear.scatter [tilespmem:s8], [sflag:$0x6], $0x3E80, $0x38;
	[tilespmem:$0xFA40] =	vst v63  }
0x19: {  	s16 =	simm.s32 $0xBBC0;
	s17 =	simm.s32 $0x3;
	s15 =	simm.s32 $0x30  }
0x1a: {  	[tilespmem:s16], [sflag:$0x4] =	stream.indirect.gather [hbm4b:s5+s6], $0x3E8, s15, s6, $0xb8;
	[tilespmem:$0xFA40] =	vst v63  }
0x1b: {  	_ =	swait.ge [sflag:s17], $0x3E80  }
0x1c: {  	[sflag:s17] =	ssyncset.done $0x0  }
0x1d: {  	s19 =	simm.s32 $0x4;
	s18 =	sadd.s32 $0xFA0, s20;
	[sflag:s17] =	ssyncadd.s32 $0xFFFFC180  }
0x1e: {  	[hbm4b:s18+s2] =	stream.linear.scatter [tilespmem:s12], [sflag:$0x7], $0x3E80, $0x38;
	[tilespmem:$0xFA40] =	vst v63  }
0x1f: {  	_ =	swait.ge [sflag:s19], $0x3E80  }
0x20: {  	[sflag:s19] =	ssyncset.done $0x0  }
0x21: {  	s21 =	simm.s32 $0x5;
	s20 =	sadd.s32 $0x1770, s20;
	[sflag:s19] =	ssyncadd.s32 $0xFFFFC180  }
0x22: {  	[hbm4b:s20+s2] =	stream.linear.scatter [tilespmem:s16], [sflag:$0x8], $0x3E80, $0x38;
	[tilespmem:$0xFA40] =	vst v63  }
0x23: {  	_ =	swait.ge [sflag:s21], $0x3E80  }
0x24: {  	s24 =	ssub.s32 $0x2, s23;
	[sflag:s21] =	ssyncset.done $0x0  }
0x25: {  	s22 =	simm.s32 $0x6;
	s25 =	sshrl.u32 s24, $0x1;
	[sflag:s21] =	ssyncadd.s32 $0xFFFFC180  }
0x26: {  	s24 =	ssub.s32 s24, s25;
	_ =	swait.ge [sflag:s22], $0x3E80  }
0x27: {  	s25 =	smax.u32 s24, $0x1;
	[sflag:s22] =	ssyncset.done $0x0  }
0x28: {  	s23 =	simm.s32 $0x7;
	p0 =	sne.s32 s25, $0x1;
	[sflag:s22] =	ssyncadd.s32 $0xFFFFC180  }
.Ltmp0:
0x29: {  	_ =	swait.ge [sflag:s23], $0x3E80;
	(pc) =	sbr.rel @!p0 .LBB2_2-.Ltmp0, $4  }
0x2a: {  	[sflag:s23] =	ssyncset.done $0x0  }
0x2b: {  	s24 =	simm.s32 $0x8;
	[sflag:s23] =	ssyncadd.s32 $0xFFFFC180  }
0x2c: {  	_ =	swait.ge [sflag:s24], $0x3E80  }
0x2d: {  	s25 =	sadd.s32 $0xFFFFFFFF, s25;
	[sflag:s24] =	ssyncset.done $0x0  }
.LBB2_1:
0x2e: {  	p0 =	sne.s32 s25, $0x1;
	s25 =	sadd.s32 $0xFFFFFFFF, s25;
	[sflag:s24] =	ssyncadd.s32 $0xFFFFC180  }
0x2f: {  	[tilespmem:s2], [sflag:$0x9] =	stream.linear.gather [hbm4b:s3+s2], $0x40, $0x38;
	[tilespmem:$0xFA40] =	vst v63  }
0x30: {  	_ =	swait.ge [sflag:s4], $0x40  }
0x31: {  	[sflag:s4] =	ssyncset.done $0x0  }
0x32: {  	[sflag:s4] =	ssyncadd.s32 $0xFFFFFFC0  }
0x33: {  	[tilespmem:s7], [sflag:$0x1] =	stream.indirect.gather [hbm4b:s5+s6], $0x3E8, s2, s6, $0xb8;
	[tilespmem:$0xFA40] =	vst v63  }
0x34: {  	_ = 	snop  }
0x35: {  	[tilespmem:s8], [sflag:$0x2] =	stream.indirect.gather [hbm4b:s5+s6], $0x3E8, s6, s6, $0xb8;
	[tilespmem:$0xFA40] =	vst v63  }
0x36: {  	_ =	swait.ge [sflag:s9], $0x3E80  }
0x37: {  	[sflag:s9] =	ssyncset.done $0x0  }
0x38: {  	[sflag:s9] =	ssyncadd.s32 $0xFFFFC180  }
0x39: {  	[hbm4b:s10+s2] =	stream.linear.scatter [tilespmem:s7], [sflag:$0x5], $0x3E80, $0x38;
	[tilespmem:$0xFA40] =	vst v63  }
0x3a: {  	_ = 	snop  }
0x3b: {  	[tilespmem:s12], [sflag:$0x3] =	stream.indirect.gather [hbm4b:s5+s6], $0x3E8, s11, s6, $0xb8;
	[tilespmem:$0xFA40] =	vst v63  }
0x3c: {  	_ =	swait.ge [sflag:s13], $0x3E80  }
0x3d: {  	[sflag:s13] =	ssyncset.done $0x0  }
0x3e: {  	[sflag:s13] =	ssyncadd.s32 $0xFFFFC180  }
0x3f: {  	[hbm4b:s14+s2] =	stream.linear.scatter [tilespmem:s8], [sflag:$0x6], $0x3E80, $0x38;
	[tilespmem:$0xFA40] =	vst v63  }
0x40: {  	_ = 	snop  }
0x41: {  	[tilespmem:s16], [sflag:$0x4] =	stream.indirect.gather [hbm4b:s5+s6], $0x3E8, s15, s6, $0xb8;
	[tilespmem:$0xFA40] =	vst v63  }
0x42: {  	_ =	swait.ge [sflag:s17], $0x3E80  }
0x43: {  	[sflag:s17] =	ssyncset.done $0x0  }
0x44: {  	[sflag:s17] =	ssyncadd.s32 $0xFFFFC180  }
0x45: {  	[hbm4b:s18+s2] =	stream.linear.scatter [tilespmem:s12], [sflag:$0x7], $0x3E80, $0x38;
	[tilespmem:$0xFA40] =	vst v63  }
0x46: {  	_ =	swait.ge [sflag:s19], $0x3E80  }
0x47: {  	[sflag:s19] =	ssyncset.done $0x0  }
0x48: {  	[sflag:s19] =	ssyncadd.s32 $0xFFFFC180  }
0x49: {  	[hbm4b:s20+s2] =	stream.linear.scatter [tilespmem:s16], [sflag:$0x8], $0x3E80, $0x38;
	[tilespmem:$0xFA40] =	vst v63  }
0x4a: {  	_ =	swait.ge [sflag:s21], $0x3E80  }
0x4b: {  	[sflag:s21] =	ssyncset.done $0x0  }
0x4c: {  	[sflag:s21] =	ssyncadd.s32 $0xFFFFC180  }
0x4d: {  	_ =	swait.ge [sflag:s22], $0x3E80  }
0x4e: {  	[sflag:s22] =	ssyncset.done $0x0  }
0x4f: {  	[sflag:s22] =	ssyncadd.s32 $0xFFFFC180  }
.Ltmp1:
0x50: {  	_ =	swait.ge [sflag:s23], $0x3E80;
	(pc) =	sbr.rel @p0 .LBB2_1-.Ltmp1, $4  }
0x51: {  	[sflag:s23] =	ssyncset.done $0x0  }
0x52: {  	[sflag:s23] =	ssyncadd.s32 $0xFFFFC180  }
0x53: {  	_ =	swait.ge [sflag:s24], $0x3E80  }
0x54: {  	[sflag:s24] =	ssyncset.done $0x0  }
.LBB2_2:
0x55: {  	[sflag:s24] =	ssyncadd.s32 $0xFFFFC180  }
0x56: {  	_ =	sfence.sel $0x180000  }
0x57: {  	[bflag:$0x0] =	sbarrier.arrive $0xFFFF  }
0x58: {  	p0 =	sne.s32 s0, $0x0;
	_ =	strace $0x90000047  }
0x59: {  	s0 =	sadd.s32 @!p0 $0x100000, s1;
	[bflag:$0x2] =	sbarrier.arrive $0xFFFF  }
0x5a: {  	[sflag:s0] =	ssyncadd.tile.s32 @!p0 $0x1;
	_ =	shalt  }
.Lfunc_end2:
_tile_overlayer_lowered:
.L_overlay_start_2:
0x5b: {  	(tag) =	ssettag $0x2  }
0x5c: {  	s0 =	rddreg [dreg:$0x0];
	s2 =	stileid.u32  }
0x5d: {  	s1 =	rddreg [dreg:$0x1];
	p0 =	sne.s32 s2, $0x0  }
0x5e: {  	s3 =	rddreg [dreg:$0x2];
	[bflag:$0x3] =	sbarrier.arrive $0xFFFF;
	s2 =	simm.s32 @!p0 $0x1C09  }
0x5f: {  	[timem:s3], [sflag:s2] =	dma.local @!p0 [hbm:s0], s1  }
0x60: {  	s0 =	simm.s32 @!p0 $0x9  }
0x61: {  	_ =	swait.ge @!p0 [sflag:s0], s1  }
0x62: {  	s1 =	ssub.s32 @!p0 $0x0, s1;
	[sflag:s0] =	ssyncset.done @!p0 $0x0  }
0x63: {  	[sflag:s0] =	ssyncadd.s32 @!p0 s1  }
0x64: {  	[bflag:$0x3] =	sbarrier.arrive $0xFFFF  }
0x65: {  	_ =	shalt  }

// kernel: sparse-core-data-format-call.cloned.1.call-start
scs
called_computation_lowered:
.L_overlay_start_0:
0x0: {  	s2 =	sld [smem:$0x3FD9]  }
0x1: {  	s3 =	sld [smem:$0x3FFE];
	_ =	sdelay $0x1  }
0x2: {  	s1 =	srdreg.scid  }
0x3: {  	s0 =	sand.u32 $0x1, s1  }
0x4: {  	s18 =	sshll.u32 s0, $0xA;
	s2 =	sadd.s32 s3, s2  }
0x5: {  	s2 =	sadd.s32 s2, s18  }
0x6: {  	[smem:$0x3FC6] =	sst s2  }
0x7: {  	_ = 	snop  }
0x8: {  	s2 =	sld [smem:$0x3FD0];
	(tm) =	ssettm $0x1  }
0x9: {  	s19 =	sld [smem:$0x3FFB];
	_ =	sdelay $0x3  }
0xa: {  	_ =	strace s19  }
0xb: {  	s3 =	sld [smem:$0x3FFC];
	_ =	sdelay $0x3  }
0xc: {  	_ =	strace s3  }
0xd: {  	s3 =	sld [smem:$0x3FFD];
	_ =	sdelay $0x3  }
0xe: {  	_ =	strace s3  }
0xf: {  	_ =	strace $0x8FFFFFFF  }
0x10: {  	s20 =	sld [smem:$0x3FDB];
	_ =	sdelay $0x1  }
0x11: {  	s4 =	simm.s32 $_scs_section_size  }
0x12: {  	s5 =	simm.s32 $_size__tile_overlayer_lowered;
	s6 =	simm.s32 $_tile_overlayer_lowered  }
0x13: {  	s23 =	simm.s32 $0x1BFF;
	s22 =	sshll.u32 s6, $0x1;
	s3 =	sadd.s32 s4, s20  }
0x14: {  	s7 =	simm.s32 $0x0;
	s21 =	sshll.u32 s5, $0x1;
	s5 =	sadd.s32 s22, s3  }
0x15: {  	[timem:s7], [sflag:s23] =	dma.local [hbm:s5], s21  }
0x16: {  	_ =	swait.ge [sflag:s23], s21  }
0x17: {  	s4 =	ssub.s32 $0x0, s21;
	[sflag:s23] =	ssyncset.done $0x0  }
0x18: {  	[sflag:s23] =	ssyncadd.s32 s4;
	_ =	sdelay $0x1  }
0x19: {  	s24 =	simm.s32 $0x1B8B  }
0x1a: {  	_ =	swait.ge [sflag:s24], $0x1  }
0x1b: {  	[sflag:s24] =	ssyncset.done $0x0  }
0x1c: {  	s26 =	simm.s32 $0x1B8E;
	s25 =	sld [smem:$0x3FFE];
	[sflag:s24] =	ssyncadd.s32 $0xFFFFFFFF  }
0x1d: {  	s27 =	simm.s32 $execute0_lowered;
	[smem:$0x3FD2] =	sst s26  }
0x1e: {  	s5 =	sshll.u32 s27, $0x1;
	_ =	strace $0x80000049;
	[dreg:$0x1] =	wrdreg $0xFFFFFFFF  }
0x1f: {  	s28 =	simm.s32 $_size_execute0_lowered;
	s3 =	sadd.s32 s3, s5;
	[dreg:$0x0] =	wrdreg $0x0  }
0x20: {  	s5 =	sshll.u32 s28, $0x1;
	[dreg:$0x2] =	wrdreg s3  }
0x21: {  	[dreg:$0x3] =	wrdreg s5  }
0x22: {  	[dreg:$0x4] =	wrdreg $0xC0  }
0x23: {  	_ =	task [dreg:s7], $0x5FFFF  }
0x24: {  	[dreg:$0x1] =	wrdreg $0xFFFFFFFF  }
0x25: {  	[dreg:$0x0] =	wrdreg $0x60  }
0x26: {  	[dreg:$0x2] =	wrdreg s25  }
0x27: {  	[dreg:$0x3] =	wrdreg s2  }
0x28: {  	[dreg:$0x4] =	wrdreg $0x9  }
0x29: {  	_ =	task.clear_ibuf [dreg:s7], $0x5FFFF;
	_ =	strace $0x90000049  }
0x2a: {  	s29 =	simm.s32 $0x9;
	_ =	strace $0x8000004B  }
0x2b: {  	_ =	swait.ge [sflag:s29], $0x1  }
0x2c: {  	[sflag:s29] =	ssyncadd.s32 $0xFFFFFFFF  }
0x2d: {  	_ =	strace $0x9000004B  }
0x2e: {  	_ =	sfence  }
0x2f: {  	s30 =	sld [smem:$0x0];
	_ =	sdelay $0x2  }
0x30: {  	s31 =	sshll.u32 s1, $0xD;
	s1 =	sshrl.u32 s1, $0x2  }
0x31: {  	s3 =	sand.u32 $0x4000, s31;
	s1 =	sadd.s32 s1, s30  }
0x32: {  	s0 =	sor.u32 s3, s0;
	s1 =	sshll.u32 s1, $0x11  }
0x33: {  	s0 =	sor.u32 s1, s0  }
0x34: {  	s0 =	sadd.s32 $0x8F2B, s0  }
0x35: {  	[sflag:s0] =	ssyncadd.remote.s32 $0x1  }
0x36: {  	_ =	sfence.sel $0xFFFF  }
0x37: {  	[dreg:$0x0] =	wrdreg $0xFFFFFFFF;
	(pc) =	sbr.abs _section_cstart, $3  }
0x38: {  	[dreg:$0x1] =	wrdreg $0xFFFFFFFF  }
0x39: {  	_ =	task.clear_ibuf [dreg:s7], $0x2FFFF;
	_ =	strace $0x9FFFFFFF  }
0x3a: {  	(tm) =	ssettm $0x7FFFFFFF  }
0x3b: {  	_ =	shalt  }
tec
execute0_lowered:
.L_overlay_start_1:
0x0: {  	(tag) =	ssettag $0x1  }
0x1: {  	s4 =	rddreg [dreg:$0x0]  }
0x2: {  	s0 =	stileid.u32;
	s2 =	rddreg [dreg:$0x1]  }
0x3: {  	s7 =	srdreg.scid;
	s31 =	simm.s32 $0x2;
	s17 =	simm.s32 $0x0  }
0x4: {  	s9 =	simm.s32 $0x2000;
	s19 =	simm.s32 $0x0;
	s18 =	simm.s32 $0x0  }
0x5: {  	s10 =	simm.s32 $0x0;
	s11 =	simm.s32 $0x0;
	s1 =	sshll.u32 s0, $0x7  }
0x6: {  	s12 =	simm.s32 $0x0;
	s14 =	simm.s32 $0x0;
	s3 =	sand.u32 $0x380, s1  }
0x7: {  	s16 =	simm.s32 $0x0;
	s4 =	sadd.s32 $0x640A00, s4;
	s5 =	ssub.s32 $0x400, s3  }
0x8: {  	s8 =	sshll.u32 s0, $0x4;
	s7 =	sshll.u32 s7, $0x8;
	s6 =	sand.u32 $0x380, s5  }
0x9: {  	s1 =	rddreg [dreg:$0x2];
	p0 =	sne.s32 s6, $0x0;
	s6 =	simm.s32 $0x1  }
.Ltmp0:
0xa: {  	s5 =	sshrl.u32 s5, $0xA;
	s6 =	simm.s32 @!p0 $0x0;
	(pc) =	sbr.rel .LBB1_1-.Ltmp0, $4  }
0xb: {  	_ =	strace $0x8000004A;
	s7 =	sor.u32 s8, s7;
	s6 =	sadd.s32 s6, s5  }
0xc: {  	s7 =	sand.u32 $0x180, s7;
	s5 =	simm.s32 $0x1;
	s6 =	smul.u32 $0x64, s6  }
0xd: {  	s15 =	smov.u32 s3;
	s13 =	smov.u32 s7;
	[sflag:s5] =	ssyncpa.u1 $0x0  }
0xe: {  	p0 =	por $0x0, $0x0;
	[sflag:s31] =	ssyncpa.u1 $0x0;
	s8 =	sor.u32 $0x1, s6  }
.LBB1_4:
0xf: {  	s25 =	sshll.u32 s10, $0xA;
	s24 =	sshra.s32 s24, $0x2;
	s26 =	sshll.u32 s12, $0x3  }
0x10: {  	p1 =	sgt.s32 s11, $0x31;
	s27 =	smov.u32 s11;
	s28 =	sshra.s32 s11, $0x1F  }
0x11: {  	p2 =	sgt.s32 s12, $0x380;
	s31 =	sshra.s32 s12, $0x1F;
	s25 =	sand.u32 $0xFFFFE000, s25  }
0x12: {  	s26 =	sand.u32 $0xFFFFFC00, s26;
	s27 =	simm.s32 @!p1 $0x31;
	s28 =	sand.u32 s28, s11  }
0x13: {  	[tilespmem:s22+$0x2040 ss:$0x81] =	vst.msk $0xffff, v4;
	s23 =	sadd.s32 s24, s23;
	s29 =	sadd.s32 s26, s25;
	s25 =	ssub.s32 s27, s28  }
0x14: {  	[tilespmem:s22+$0x2850 ss:$0x81] =	vst.msk $0xffff, v3;
	s27 =	smov.u32 s12;
	s28 =	smov.u32 s10;
	s26 =	sand.u32 s31, s12  }
0x15: {  	[tilespmem:s22+$0x3060 ss:$0x81] =	vst.msk $0xffff, v2;
	s24 =	sshrl.u32 s29, $0xA;
	s30 =	sadd.s32 $0xFFFFFFCF, s25;
	s27 =	simm.s32 @!p2 $0x380  }
0x16: {  	v5 =	vld [tilespmem:s21+$0xFFFFFFD0];
	[tilespmem:s22+$0x0 ss:$0x81] =	vst.msk $0xffff, v1;
	p2 =	sgt.s32 s10, $0x368;
	s29 =	sshra.s32 s10, $0x1F;
	s22 =	ssub.s32 $0x32, s25  }
0x17: {  	v58 =	vld [tilespmem:s21+$0xFFFFFFE0];
	p1 =	sgt.s32 s30, $0x0;
	s28 =	simm.s32 @!p2 $0x368;
	s29 =	sand.u32 s29, s10  }
0x18: {  	v59 =	vld [tilespmem:s21+$0xFFFFFFF0];
	s26 =	ssub.s32 s27, s26;
	s27 =	smulhi.u32 $0x418938, s24;
	s28 =	ssub.s32 s28, s29  }
0x19: {  	v60 =	vld [tilespmem:s21+$0x0];
	s30 =	sadd.s32 $0xFFFFFC80, s26;
	s25 =	ssub.s32 $0x400, s26;
	s22 =	simm.s32 @p1 $0x0  }
0x1a: {  	v61 =	vld [tilespmem:s21+$0x10];
	[tilespmem:s23+$0x3870 ss:$0x81] =	vst.msk $0xffff, v0;
	s29 =	sand.u32 $0x78, s12;
	p2 =	sgt.s32 s30, $0x7F;
	s31 =	sadd.s32 $0xFFFFFC98, s28  }
0x1b: {  	v62 =	vld [tilespmem:s21+$0x20];
	[tilespmem:s23+$0x810 ss:$0x81] =	vst.msk $0xffff, v5;
	s27 =	smul.u32 $0x3E8, s27;
	s30 =	sshll.u32 s10, $0x7;
	s28 =	ssub.s32 $0x3E8, s28  }
0x1c: {  	v63 =	vld [tilespmem:s21+$0xFFFFFFC0];
	[tilespmem:s23+$0x1020 ss:$0x81] =	vst.msk $0xffff, v58;
	s25 =	simm.s32 @p2 $0x0;
	p1 =	sgt.s32 s31, $0x7F;
	s31 =	smul.u32 $0x1F400, s11  }
0x1d: {  	[tilespmem:s23+$0x1830 ss:$0x81] =	vst.msk $0xffff, v59;
	s21 =	sand.u32 $0x380, s30;
	s22 =	smul.u32 s25, s22;
	s28 =	simm.s32 @p1 $0x0  }
0x1e: {  	[tilespmem:s23+$0x2040 ss:$0x81] =	vst.msk $0xffff, v60;
	s21 =	sor.u32 s29, s21;
	s24 =	ssub.s32 s24, s27;
	s29 =	sand.u32 $0x7, s12  }
0x1f: {  	[tilespmem:s23+$0x2850 ss:$0x81] =	vst.msk $0xffff, v61;
	s21 =	sshrl.u32 s21, $0x3;
	s25 =	sadd.s32 s2, s31;
	s22 =	smul.u32 s28, s22  }
0x20: {  	[tilespmem:s23+$0x3060 ss:$0x81] =	vst.msk $0xffff, v62;
	s24 =	sshll.u32 s24, $0x7;
	s30 =	sshll.u32 s29, $0x12;
	s21 =	sadd.s32 s21, s25  }
0x21: {  	[tilespmem:s23+$0x0 ss:$0x81] =	vst.msk $0xffff, v63;
	s31 =	sor.u32 $0x400, s30;
	s21 =	sadd.s32 s24, s21;
	s22 =	sand.u32 $0x3FFFFFFF, s22  }
0x22: {  	[hbm4b:s21+s31] =	stream.strided.scatter [tilespmem:s20], [sflag:$0x2], s22, s9, s31, $0x20;
	[tilespmem:$0x10100] =	vst v63  }
.LBB1_5:
0x23: {  	p1 =	slt.u32 s16, $0x2  }
0x24: {  	p2 =	sgt.s32 @!p1 s19, $0x31  }
0x25: {  	s20 =	smov.u32 s19;
	s21 =	sshra.s32 @!p1 s19, $0x1F;
	p2 =	por !p2, p1  }
0x26: {  	s19 =	sand.u32 @!p1 s21, s19;
	s20 =	simm.s32 @p2 $0x31  }
0x27: {  	p3 =	sgt.s32 @!p1 s17, $0x368;
	s19 =	ssub.s32 @!p1 s20, s19  }
0x28: {  	p4 =	sgt.s32 @!p1 s18, $0x380;
	s22 =	sshra.s32 @!p1 s18, $0x1F;
	s20 =	sadd.s32 @!p1 $0xFFFFFFCF, s19  }
0x29: {  	s21 =	smov.u32 s17;
	p2 =	sgt.s32 @!p1 s20, $0x0;
	s20 =	sshra.s32 @!p1 s17, $0x1F  }
0x2a: {  	p4 =	por !p4, p1;
	s17 =	sand.u32 @!p1 s20, s17;
	s20 =	smov.u32 s18  }
0x2b: {  	p3 =	por !p3, p1;
	s18 =	sand.u32 @!p1 s22, s18;
	s20 =	simm.s32 @p4 $0x380  }
0x2c: {  	s21 =	simm.s32 @p3 $0x368;
	s19 =	ssub.s32 @!p1 $0x32, s19;
	s18 =	ssub.s32 @!p1 s20, s18  }
0x2d: {  	p2 =	por !p2, p1;
	s17 =	ssub.s32 @!p1 s21, s17;
	s21 =	sadd.s32 @!p1 $0xFFFFFC80, s18  }
0x2e: {  	s19 =	simm.s32 @!p2 $0x0;
	p3 =	sgt.s32 @!p1 s21, $0x7F  }
0x2f: {  	s20 =	sadd.s32 @!p1 $0xFFFFFC98, s17;
	s18 =	ssub.s32 @!p1 $0x400, s18;
	p3 =	por !p3, p1  }
0x30: {  	p2 =	sgt.s32 @!p1 s20, $0x7F;
	s20 =	sadd.s32 $0x200, s13;
	s18 =	simm.s32 @!p3 $0x0  }
0x31: {  	p3 =	sgt.s32 s20, $0x3E7;
	s18 =	smul.u32 @!p1 s18, s19;
	s19 =	simm.s32 $0x1  }
0x32: {  	s17 =	ssub.s32 @!p1 $0x3E8, s17;
	p2 =	por !p2, p1;
	s19 =	simm.s32 @!p3 $0x0  }
0x33: {  	s22 =	smov.u32 s15;
	s17 =	simm.s32 @!p2 $0x0;
	s21 =	sadd.s32 s19, s14  }
0x34: {  	s17 =	smul.u32 @!p1 s17, s18;
	s18 =	sadd.s32 $0x400, s15;
	p2 =	sgt.s32 s21, $0x31  }
0x35: {  	p0 =	por !p0, !p0;
	s23 =	simm.s32 @!p1 $0x2;
	s22 =	smov.u32 @p2 s18  }
0x36: {  	s20 =	smov.u32 @p3 s7;
	s21 =	simm.s32 @p2 $0x0;
	p2 =	sgt.s32 s22, $0x3FF  }
0x37: {  	s19 =	smov.u32 s11;
	s22 =	smov.u32 @p2 s3;
	p2 =	sne.s32 s16, s8  }
.Ltmp1:
0x38: {  	s11 =	smov.u32 s14;
	s17 =	sand.u32 @!p1 $0x3FFFFFFF, s17;
	(pc) =	sbr.rel @!p2 .LBB1_6-.Ltmp1, $4  }
0x39: {  	s18 =	smov.u32 s12;
	s12 =	smov.u32 s15;
	_ =	swait.ge @!p1 [sflag:s23], s17  }
0x3a: {  	s24 =	ssub.s32 @!p1 $0x0, s17;
	s17 =	smov.u32 s10;
	s10 =	smov.u32 s13  }
0x3b: {  	s13 =	smov.u32 s20;
	s14 =	smov.u32 s21;
	[sflag:s23] =	ssyncset.done @!p1 $0x0  }
0x3c: {  	s16 =	sadd.s32 $0x1, s16;
	[sflag:s23] =	ssyncadd.s32 @!p1 s24;
	s15 =	smov.u32 s22  }
.LBB1_1:
0x3d: {  	p1 =	sge.u32 s16, s6  }
0x3e: {  	s20 =	sshll.u32 @!p1 s14, $0xA  }
0x3f: {  	s21 =	sshll.u32 @!p1 s13, $0x3;
	s20 =	sand.u32 @!p1 $0xFFFFE000, s20  }
0x40: {  	s20 =	sadd.s32 @!p1 s20, s21  }
0x41: {  	s20 =	sshrl.u32 @!p1 s20, $0xA  }
0x42: {  	s21 =	smulhi.u32 @!p1 $0x4924925, s20  }
0x43: {  	s22 =	sshll.u32 @!p1 s14, $0x7;
	s24 =	smul.u32 @!p1 $0x1C00, s15  }
0x44: {  	s23 =	sand.u32 @!p1 $0x78, s13;
	s22 =	sand.u32 @!p1 $0x380, s22;
	s21 =	smul.u32 @!p1 $0x38, s21  }
0x45: {  	s31 =	sadd.s32 $0xFFFFFFFF, s16;
	s22 =	sor.u32 @!p1 s23, s22;
	s23 =	sadd.s32 @!p1 s4, s24  }
0x46: {  	s22 =	sshrl.u32 @!p1 s22, $0x3;
	s20 =	ssub.s32 @!p1 s20, s21;
	s21 =	sxor.u32 @!p1 $0xFFFFFFFF, s16  }
0x47: {  	s22 =	sadd.s32 @!p1 s22, s23;
	s23 =	sand.u32 @!p1 $0x7, s13;
	s21 =	sshll.u32 @!p1 s21, $0xE  }
0x48: {  	s23 =	sshll.u32 @!p1 s23, $0x12;
	s20 =	sshll.u32 @!p1 s20, $0x7;
	s21 =	sand.u32 @!p1 $0x4000, s21  }
0x49: {  	s20 =	sadd.s32 @!p1 s20, s22;
	s22 =	sor.u32 @!p1 $0x80, s23;
	s23 =	simm.s32 @!p1 $0xE000  }
0x4a: {  	[tilespmem:s21], [sflag:$0x1] =	stream.strided.gather @!p1 [hbm4b:s20+s22], $0x4000, s23, s22, $0x38;
	[tilespmem:$0x10100] =	vst v63  }
0x4b: {  	p1 =	sge.u32 s31, s6  }
.Ltmp2:
0x4c: {  	_ = 	snop;
	(pc) =	sbr.rel @p1 .LBB1_5-.Ltmp2, $1  }
0x4d: {  	_ =	sdelay $0x3  }
0x4e: {  	s20 =	simm.s32 $0x1  }
0x4f: {  	_ =	swait.ge [sflag:s5], $0x4000;
	s20 =	simm.s32 @!p0 $0x0  }
0x50: {  	[sflag:s5] =	ssyncset.done $0x0;
	s21 =	sshll.u32 s20, $0xE  }
0x51: {  	[sflag:s5] =	ssyncadd.s32 $0xFFFFC000;
	s21 =	sor.u32 $0x40, s21  }
0x52: {  	s20 =	smul.u32 $0x10200, s20;
	v0 =	vld [tilespmem:s21+$0x30]  }
0x53: {  	v1 =	vld [tilespmem:s21+$0xFFFFFFD0]  }
0x54: {  	s20 =	sshrl.u32 s20, $0x2;
	v5 =	vld [tilespmem:s21+$0xFFFFFFE0]  }
0x55: {  	v6 =	vld [tilespmem:s21+$0xFFFFFFF0];
	s23 =	sor.u32 $0x8000, s20  }
0x56: {  	s31 =	sand.u32 $0x1, s16;
	v4 =	vld [tilespmem:s21+$0x0];
	s22 =	sadd.s32 $0x0, s23  }
0x57: {  	v3 =	vld [tilespmem:s21+$0x10];
	s20 =	smul.u32 $0x10200, s31;
	[tilespmem:s22+$0x3870 ss:$0x81] =	vst.msk $0xffff, v0  }
0x58: {  	v2 =	vld [tilespmem:s21+$0x20];
	[tilespmem:s22+$0x810 ss:$0x81] =	vst.msk $0xffff, v1  }
0x59: {  	s20 =	sshrl.u32 s20, $0x2;
	v1 =	vld [tilespmem:s21+$0xFFFFFFC0];
	[tilespmem:s22+$0x1020 ss:$0x81] =	vst.msk $0xffff, v5;
	s21 =	sadd.s32 $0x80, s21  }
0x5a: {  	s24 =	simm.s32 $0x4;
	s25 =	simm.s32 $0x8;
	s20 =	sor.u32 $0x8000, s20;
	[tilespmem:s22+$0x1830 ss:$0x81] =	vst.msk $0xffff, v6;
	v0 =	vld [tilespmem:s21+$0x30]  }
.LBB1_3:
0x5b: {  	p1 =	sne.s32 s25, $0x1FC;
	v5 =	vld [tilespmem:s21+$0xFFFFFFD0];
	[tilespmem:s22+$0x2040 ss:$0x81] =	vst.msk $0xffff, v4  }
0x5c: {  	v6 =	vld [tilespmem:s21+$0xFFFFFFE0];
	[tilespmem:s22+$0x2850 ss:$0x81] =	vst.msk $0xffff, v3  }
0x5d: {  	s26 =	sshra.s32 s24, $0x2;
	s24 =	smov.u32 s25;
	v7 =	vld [tilespmem:s21+$0xFFFFFFF0];
	[tilespmem:s22+$0x3060 ss:$0x81] =	vst.msk $0xffff, v2  }
.Ltmp3:
0x5e: {  	v4 =	vld [tilespmem:s21+$0x0];
	[tilespmem:s22+$0x0 ss:$0x81] =	vst.msk $0xffff, v1;
	s22 =	sadd.s32 s26, s23;
	(pc) =	sbr.rel @p1 .LBB1_3-.Ltmp3, $4  }
0x5f: {  	v3 =	vld [tilespmem:s21+$0x10];
	[tilespmem:s22+$0x3870 ss:$0x81] =	vst.msk $0xffff, v0  }
0x60: {  	[tilespmem:s22+$0x810 ss:$0x81] =	vst.msk $0xffff, v5;
	v2 =	vld [tilespmem:s21+$0x20]  }
0x61: {  	v1 =	vld [tilespmem:s21+$0xFFFFFFC0];
	[tilespmem:s22+$0x1020 ss:$0x81] =	vst.msk $0xffff, v6;
	s21 =	sadd.s32 $0x80, s21  }
0x62: {  	s25 =	sadd.s32 $0x4, s25;
	v0 =	vld [tilespmem:s21+$0x30];
	[tilespmem:s22+$0x1830 ss:$0x81] =	vst.msk $0xffff, v7  }
.Ltmp4:
0x63: {  	_ = 	snop;
	(pc) =	sbr.rel .LBB1_4-.Ltmp4, $1  }
0x64: {  	_ =	sdelay $0x3  }
.LBB1_6:
0x65: {  	_ =	sfence.sel $0x180000  }
0x66: {  	s2 =	simm.s32 $0x1;
	[bflag:$0x0] =	sbarrier.arrive $0xFFFF  }
0x67: {  	s31 =	simm.s32 $0x2;
	[sflag:s2] =	ssyncpa.u1 $0x1  }
0x68: {  	[sflag:s31] =	ssyncpa.u1 $0x1  }
0x69: {  	p0 =	sne.s32 s0, $0x0;
	_ =	strace $0x9000004A  }
0x6a: {  	s0 =	sadd.s32 @!p0 $0x100000, s1;
	[bflag:$0x2] =	sbarrier.arrive $0xFFFF  }
0x6b: {  	[sflag:s0] =	ssyncadd.tile.s32 @!p0 $0x1;
	_ =	shalt  }
.Lfunc_end1:
_tile_overlayer_lowered:
.L_overlay_start_2:
0x6c: {  	(tag) =	ssettag $0x2  }
0x6d: {  	s0 =	rddreg [dreg:$0x0];
	s2 =	stileid.u32  }
0x6e: {  	s1 =	rddreg [dreg:$0x1];
	p0 =	sne.s32 s2, $0x0  }
0x6f: {  	s3 =	rddreg [dreg:$0x2];
	[bflag:$0x3] =	sbarrier.arrive $0xFFFF;
	s2 =	simm.s32 @!p0 $0x1C01  }
0x70: {  	[timem:s3], [sflag:s2] =	dma.local @!p0 [hbm:s0], s1  }
0x71: {  	s0 =	simm.s32 @!p0 $0x1  }
0x72: {  	_ =	swait.ge @!p0 [sflag:s0], s1  }
0x73: {  	s1 =	ssub.s32 @!p0 $0x0, s1;
	[sflag:s0] =	ssyncset.done @!p0 $0x0  }
0x74: {  	[sflag:s0] =	ssyncadd.s32 @!p0 s1  }
0x75: {  	[bflag:$0x3] =	sbarrier.arrive $0xFFFF  }
0x76: {  	_ =	shalt  }

</sc_bundles>
